<compile_context>
chip_gen: v7x
topology: tpu7x:2x2x1
jax: 0.10.2.dev20260603
libtpu: 0.0.44.dev20260713+nightly
codegen_flags: <defaults>
</compile_context>

<pallas_src>
import functools

import jax
import jax.numpy as jnp
from jax import lax
from jax.experimental import pallas as pl
from jax.experimental.pallas import tpu as pltpu
from jax.experimental.pallas import tpu_sc as plsc

_N = 2048
_H = 16
_LANES = 16
_PITCH = 4160


def _sc_body(bt_hbm, out_hbm, btv, dsh, sem):
    nc = 2
    wid = lax.axis_index("s") * nc + lax.axis_index("c")
    h = wid // 2
    halfbit = wid % 2
    row0 = halfbit * (_N // 2)

    pltpu.sync_copy(bt_hbm.at[h], btv)

    jlo = (1 - halfbit) * 63
    jhi = 192 + (1 - halfbit) * 64
    lanes = lax.iota(jnp.int32, _LANES)
    for s in range(8):
        @plsc.parallel_loop(jlo, jhi, unroll=8)
        def _chunk(j, s=s):
            base = j * _LANES
            idx = jnp.clip(base + lanes + (s - (_N - 1)), -1000, 999) + 1000
            dsh[pl.ds(s * _PITCH + base, _LANES)] = plsc.load_gather(btv, [idx])

    def blk_body(blk, carry):
        i_base = row0 + 8 * blk
        for tt in range(8):
            s = 7 - tt
            i = i_base + tt
            v = (_N - 1) - i
            off = pl.multiple_of(v + (_PITCH - 1) * s, 8)
            pltpu.async_copy(
                dsh.at[pl.ds(off, _N)], out_hbm.at[0, h, i, :], sem
            )

        @pl.when(blk > 0)
        def _drain_prev():
            for tt in range(8):
                pltpu.make_async_copy(
                    dsh.at[pl.ds(0, _N)], out_hbm.at[0, h, i_base + tt, :], sem
                ).wait()

        return carry

    lax.fori_loop(0, (_N // 2) // 8, blk_body, 0)
    for tt in range(8):
        pltpu.make_async_copy(
            dsh.at[pl.ds(0, _N)], out_hbm.at[0, h, row0 + tt, :], sem
        ).wait()


def kernel(x, bias_values):
    del x
    bt = jnp.transpose(bias_values)
    bt = jnp.pad(bt, ((0, 0), (0, 48)))

    mesh = plsc.VectorSubcoreMesh(core_axis_name="c", subcore_axis_name="s")
    run = functools.partial(
        pl.kernel,
        out_type=jax.ShapeDtypeStruct((1, _H, _N, _N), jnp.float32),
        mesh=mesh,
        scratch_types=[
            pltpu.VMEM((_N,), jnp.float32),
            pltpu.VMEM((8 * _PITCH,), jnp.float32),
            pltpu.SemaphoreType.DMA,
        ],
        compiler_params=pltpu.CompilerParams(
            needs_layout_passes=False,
            use_tc_tiling_on_sc=False,
        ),
    )
    return run(_sc_body)(bt)

# --- scband reference (transcript-rebuilt; emitter-appended) ---
"""Pipeline reference for scband-t5-relative-attention-logit-bias-32280974196991 (READ-ONLY COPY).

The authoritative reference and input builder live on the scoring server;
editing this copy changes nothing except your own understanding.
"""

import jax, jax.numpy as jnp
import numpy as np

NUM_HEADS = 16
MAX_DISTANCE = 1000
NUM_BUCKETS = 2 * MAX_DISTANCE  # asymmetric (symmetric=False)


def setup_inputs(seed: int = 0) -> dict:
    key = jax.random.key(seed)
    k1, k2 = jax.random.split(key)
    x = jax.random.normal(k1, (4, 2048, 1024), dtype=jnp.float32)
    # learned embedding table: nn.Embedding(num_buckets=2000, num_heads=16)
    bias_values = jax.random.normal(k2, (NUM_BUCKETS, NUM_HEADS), dtype=jnp.float32) * 0.02
    return {"x": x, "bias_values": bias_values}


def reference(x, bias_values):
    maxpos = x.shape[1]
    context_position = jnp.arange(maxpos, dtype=jnp.int32)[:, None]
    memory_position = jnp.arange(maxpos, dtype=jnp.int32)[None, :]
    relative_position = memory_position - context_position
    relative_position = jnp.where(relative_position < -MAX_DISTANCE, -MAX_DISTANCE, relative_position)
    relative_position = jnp.where(relative_position > MAX_DISTANCE - 1, MAX_DISTANCE - 1, relative_position)
    # _skip_bucketing=True, symmetric=False -> shift by num_buckets // 2
    bias_idx = relative_position + NUM_BUCKETS // 2
    # embedding lookup: [N, N] indices -> [N, N, H]
    t5_rel_att_bias = jnp.take(bias_values, bias_idx, axis=0)
    # permute(2, 0, 1).unsqueeze(0) -> [1, H, N, N]
    t5_rel_att_bias = jnp.transpose(t5_rel_att_bias, (2, 0, 1))[None, :, :, :]
    return t5_rel_att_bias

if __name__ == "__main__":
    import jax
    _d = setup_inputs()
    print(jax.jit(kernel)(*tuple(_d.values())))

</pallas_src>

<mosaic_0001>
#map = affine_map<(d0, d1) -> (0, 0)>
#map1 = affine_map<(d0, d1) -> (0, 0, 0, 0)>
module attributes {stable_mosaic.version = 14 : i64} {
  func.func @_sc_body(%arg0: i32, %arg1: i32, %arg2: memref<16x2048xf32, #tpu.memory_space<hbm>>, %arg3: memref<1x16x2048x2048xf32, #tpu.memory_space<hbm>>, %arg4: memref<2048xf32, #tpu.memory_space<vmem>>, %arg5: memref<33280xf32, #tpu.memory_space<vmem>>, %arg6: memref<!tpu.dma_semaphore, #tpu.memory_space<semaphore_mem>>) attributes {dimension_semantics = [#tpu.dimension_semantics<core_parallel>, #tpu.dimension_semantics<subcore_parallel>], iteration_bounds = array<i64: 2, 16>, scalar_prefetch = 0 : i64, scratch_operands = 3 : i64, tpu.core_type = #tpu.core_type<sc_vector_subcore>, window_params = [{transform_indices = #map}, {transform_indices = #map1}]} {
    %mul3A = arith.constant 2 : i32
    %mul3A_0 = arith.muli %arg1, %mul3A : i32
    %add3A = arith.addi %mul3A_0, %arg0 : i32
    %jit3A = arith.constant 2 : i32
    %div3A = arith.divsi %add3A, %jit3A : i32
    %sign3A = arith.constant 0 : i32
    %sign3A_1 = arith.cmpi sgt, %add3A, %sign3A : i32
    %sign3A_2 = arith.extui %sign3A_1 : i1 to i32
    %sign3A_3 = arith.constant 0 : i32
    %sign3A_4 = arith.cmpi slt, %add3A, %sign3A_3 : i32
    %sign3A_5 = arith.extui %sign3A_4 : i1 to i32
    %sign3A_6 = arith.subi %sign3A_2, %sign3A_5 : i32
    %sign3A_7 = arith.constant 0 : i32
    %sign3A_8 = arith.cmpi sgt, %jit3A, %sign3A_7 : i32
    %sign3A_9 = arith.extui %sign3A_8 : i1 to i32
    %sign3A_10 = arith.constant 0 : i32
    %sign3A_11 = arith.cmpi slt, %jit3A, %sign3A_10 : i32
    %sign3A_12 = arith.extui %sign3A_11 : i1 to i32
    %sign3A_13 = arith.subi %sign3A_9, %sign3A_12 : i32
    %ne3A = arith.cmpi ne, %sign3A_6, %sign3A_13 : i32
    %rem3A = arith.remsi %add3A, %jit3A : i32
    %ne3A_14 = arith.constant 0 : i32
    %ne3A_15 = arith.cmpi ne, %rem3A, %ne3A_14 : i32
    %and3A = arith.andi %ne3A, %ne3A_15 : i1
    %sub3A = arith.constant 1 : i32
    %sub3A_16 = arith.subi %div3A, %sub3A : i32
    %select_n3A = arith.select %and3A, %sub3A_16, %div3A : i32
    %jit3A_17 = arith.constant 2 : i32
    %eq3A = arith.constant 0 : i32
    %eq3A_18 = arith.cmpi eq, %jit3A_17, %eq3A : i32
    %jit3A_19 = arith.constant 1 : i32
    %select_n3A_20 = arith.select %eq3A_18, %jit3A_19, %jit3A_17 : i32
    %rem3A_21 = arith.remsi %add3A, %select_n3A_20 : i32
    %ne3A_22 = arith.constant 0 : i32
    %ne3A_23 = arith.cmpi ne, %rem3A_21, %ne3A_22 : i32
    %lt3A = arith.constant 0 : i32
    %lt3A_24 = arith.cmpi slt, %rem3A_21, %lt3A : i32
    %lt3A_25 = arith.constant 0 : i32
    %lt3A_26 = arith.cmpi slt, %select_n3A_20, %lt3A_25 : i32
    %ne3A_27 = arith.xori %lt3A_24, %lt3A_26 : i1
    %and3A_28 = arith.andi %ne3A_27, %ne3A_23 : i1
    %add3A_29 = arith.addi %rem3A_21, %select_n3A_20 : i32
    %select_n3A_30 = arith.select %and3A_28, %add3A_29, %rem3A_21 : i32
    %mul3A_31 = arith.constant 1024 : i32
    %mul3A_32 = arith.muli %select_n3A_30, %mul3A_31 : i32
    "tpu.region"() ({
      %run_scoped3A = tpu.sem_alloc : memref<!tpu.dma_semaphore, #tpu.memory_space<semaphore_mem>>
      %dma_start3A = arith.constant 0 : i32
      %dma_start3A_158 = tpu.memref_slice %arg2[%select_n3A, %dma_start3A] : memref<16x2048xf32, #tpu.memory_space<hbm>> -> memref<1x2048xf32, #tpu.memory_space<hbm>>
      %dma_start3A_159 = tpu.memref_squeeze %dma_start3A_158 : memref<1x2048xf32, #tpu.memory_space<hbm>> -> memref<2048xf32, #tpu.memory_space<hbm>>
      %dma_start3A_160 = arith.constant 0 : i32
      %dma_start3A_161 = tpu.memref_slice %arg2[%select_n3A, %dma_start3A_160] : memref<16x2048xf32, #tpu.memory_space<hbm>> -> memref<1x2048xf32, #tpu.memory_space<hbm>>
      %dma_start3A_162 = tpu.memref_squeeze %dma_start3A_161 : memref<1x2048xf32, #tpu.memory_space<hbm>> -> memref<2048xf32, #tpu.memory_space<hbm>>
      tpu.enqueue_dma source(%dma_start3A_162 : memref<2048xf32, #tpu.memory_space<hbm>>) target(%arg4 : memref<2048xf32, #tpu.memory_space<vmem>>) target_semaphore(%run_scoped3A : memref<!tpu.dma_semaphore, #tpu.memory_space<semaphore_mem>>)
      %dma_wait3A_163 = arith.constant 0 : i32
      %dma_wait3A_164 = tpu.memref_slice %arg2[%select_n3A, %dma_wait3A_163] : memref<16x2048xf32, #tpu.memory_space<hbm>> -> memref<1x2048xf32, #tpu.memory_space<hbm>>
      %dma_wait3A_165 = tpu.memref_squeeze %dma_wait3A_164 : memref<1x2048xf32, #tpu.memory_space<hbm>> -> memref<2048xf32, #tpu.memory_space<hbm>>
      %dma_wait3A_166 = arith.constant 0 : i32
      %dma_wait3A_167 = tpu.memref_slice %arg2[%select_n3A, %dma_wait3A_166] : memref<16x2048xf32, #tpu.memory_space<hbm>> -> memref<1x2048xf32, #tpu.memory_space<hbm>>
      %dma_wait3A_168 = tpu.memref_squeeze %dma_wait3A_167 : memref<1x2048xf32, #tpu.memory_space<hbm>> -> memref<2048xf32, #tpu.memory_space<hbm>>
      tpu.wait_dma2 semaphore(%run_scoped3A : memref<!tpu.dma_semaphore, #tpu.memory_space<semaphore_mem>>) src(%dma_wait3A_168 : memref<2048xf32, #tpu.memory_space<hbm>>) dst(%arg4 : memref<2048xf32, #tpu.memory_space<vmem>>)
      tpu.yield
    }) : () -> ()
    %sub3A_33 = arith.constant 1 : i32
    %sub3A_34 = arith.subi %sub3A_33, %select_n3A_30 : i32
    %mul3A_35 = arith.constant 63 : i32
    %mul3A_36 = arith.muli %sub3A_34, %mul3A_35 : i32
    %sub3A_37 = arith.constant 1 : i32
    %sub3A_38 = arith.subi %sub3A_37, %select_n3A_30 : i32
    %mul3A_39 = arith.constant 64 : i32
    %mul3A_40 = arith.muli %sub3A_38, %mul3A_39 : i32
    %add3A_41 = arith.constant 192 : i32
    %add3A_42 = arith.addi %add3A_41, %mul3A_40 : i32
    %iota3A = tpu.iota {dimensions = array<i32: 0>} : vector<16xi32>
    %parallel_loop3A = arith.constant 1 : i32
    scf.for %parallel_loop3A_158 = %mul3A_36 to %add3A_42 step %parallel_loop3A  : i32 {
      %parallel_loop3A_159 = arith.constant 16 : i32
      %parallel_loop3A_160 = arith.muli %parallel_loop3A_158, %parallel_loop3A_159 : i32
      %parallel_loop3A_161 = vector.broadcast %parallel_loop3A_160 : i32 to vector<16xi32>
      %parallel_loop3A_162 = arith.addi %parallel_loop3A_161, %iota3A : vector<16xi32>
      %parallel_loop3A_163 = arith.constant -2047 : i32
      %parallel_loop3A_164 = vector.broadcast %parallel_loop3A_163 : i32 to vector<16xi32>
      %parallel_loop3A_165 = arith.addi %parallel_loop3A_162, %parallel_loop3A_164 : vector<16xi32>
      %parallel_loop3A_166 = arith.constant -1000 : i32
      %parallel_loop3A_167 = arith.constant 999 : i32
      %parallel_loop3A_168 = vector.broadcast %parallel_loop3A_166 : i32 to vector<16xi32>
      %parallel_loop3A_169 = arith.maxsi %parallel_loop3A_168, %parallel_loop3A_165 : vector<16xi32>
      %parallel_loop3A_170 = vector.broadcast %parallel_loop3A_167 : i32 to vector<16xi32>
      %parallel_loop3A_171 = arith.minsi %parallel_loop3A_170, %parallel_loop3A_169 : vector<16xi32>
      %parallel_loop3A_172 = arith.constant 1000 : i32
      %parallel_loop3A_173 = vector.broadcast %parallel_loop3A_172 : i32 to vector<16xi32>
      %parallel_loop3A_174 = arith.addi %parallel_loop3A_171, %parallel_loop3A_173 : vector<16xi32>
      %parallel_loop3A_175 = tpu.vector_load_idx %arg4[%parallel_loop3A_174] : memref<2048xf32, #tpu.memory_space<vmem>>[vector<16xi32>], vector<16xf32>,
      %parallel_loop3A_176 = arith.constant 0 : i32
      %parallel_loop3A_177 = arith.addi %parallel_loop3A_176, %parallel_loop3A_160 : i32
      %parallel_loop3A_178 = arith.index_cast %parallel_loop3A_177 : i32 to index
      %parallel_loop3A_179 = tpu.vector_load %arg5[%parallel_loop3A_178] {strides = array<i32>} : memref<33280xf32, #tpu.memory_space<vmem>>, vector<16xf32>,
      tpu.vector_store %arg5[%parallel_loop3A_178], %parallel_loop3A_175 {strides = array<i32>} : memref<33280xf32, #tpu.memory_space<vmem>>, vector<16xf32>,
    } {sc.loop_unroll_factor = 8 : i64, sc.parallel_access}
    %parallel_loop3A_43 = arith.constant 1 : i32
    scf.for %parallel_loop3A_158 = %mul3A_36 to %add3A_42 step %parallel_loop3A_43  : i32 {
      %parallel_loop3A_159 = arith.constant 16 : i32
      %parallel_loop3A_160 = arith.muli %parallel_loop3A_158, %parallel_loop3A_159 : i32
      %parallel_loop3A_161 = vector.broadcast %parallel_loop3A_160 : i32 to vector<16xi32>
      %parallel_loop3A_162 = arith.addi %parallel_loop3A_161, %iota3A : vector<16xi32>
      %parallel_loop3A_163 = arith.constant -2046 : i32
      %parallel_loop3A_164 = vector.broadcast %parallel_loop3A_163 : i32 to vector<16xi32>
      %parallel_loop3A_165 = arith.addi %parallel_loop3A_162, %parallel_loop3A_164 : vector<16xi32>
      %parallel_loop3A_166 = arith.constant -1000 : i32
      %parallel_loop3A_167 = arith.constant 999 : i32
      %parallel_loop3A_168 = vector.broadcast %parallel_loop3A_166 : i32 to vector<16xi32>
      %parallel_loop3A_169 = arith.maxsi %parallel_loop3A_168, %parallel_loop3A_165 : vector<16xi32>
      %parallel_loop3A_170 = vector.broadcast %parallel_loop3A_167 : i32 to vector<16xi32>
      %parallel_loop3A_171 = arith.minsi %parallel_loop3A_170, %parallel_loop3A_169 : vector<16xi32>
      %parallel_loop3A_172 = arith.constant 1000 : i32
      %parallel_loop3A_173 = vector.broadcast %parallel_loop3A_172 : i32 to vector<16xi32>
      %parallel_loop3A_174 = arith.addi %parallel_loop3A_171, %parallel_loop3A_173 : vector<16xi32>
      %parallel_loop3A_175 = tpu.vector_load_idx %arg4[%parallel_loop3A_174] : memref<2048xf32, #tpu.memory_space<vmem>>[vector<16xi32>], vector<16xf32>,
      %parallel_loop3A_176 = arith.constant 4160 : i32
      %parallel_loop3A_177 = arith.addi %parallel_loop3A_176, %parallel_loop3A_160 : i32
      %parallel_loop3A_178 = arith.index_cast %parallel_loop3A_177 : i32 to index
      %parallel_loop3A_179 = tpu.vector_load %arg5[%parallel_loop3A_178] {strides = array<i32>} : memref<33280xf32, #tpu.memory_space<vmem>>, vector<16xf32>,
      tpu.vector_store %arg5[%parallel_loop3A_178], %parallel_loop3A_175 {strides = array<i32>} : memref<33280xf32, #tpu.memory_space<vmem>>, vector<16xf32>,
    } {sc.loop_unroll_factor = 8 : i64, sc.parallel_access}
    %parallel_loop3A_44 = arith.constant 1 : i32
    scf.for %parallel_loop3A_158 = %mul3A_36 to %add3A_42 step %parallel_loop3A_44  : i32 {
      %parallel_loop3A_159 = arith.constant 16 : i32
      %parallel_loop3A_160 = arith.muli %parallel_loop3A_158, %parallel_loop3A_159 : i32
      %parallel_loop3A_161 = vector.broadcast %parallel_loop3A_160 : i32 to vector<16xi32>
      %parallel_loop3A_162 = arith.addi %parallel_loop3A_161, %iota3A : vector<16xi32>
      %parallel_loop3A_163 = arith.constant -2045 : i32
      %parallel_loop3A_164 = vector.broadcast %parallel_loop3A_163 : i32 to vector<16xi32>
      %parallel_loop3A_165 = arith.addi %parallel_loop3A_162, %parallel_loop3A_164 : vector<16xi32>
      %parallel_loop3A_166 = arith.constant -1000 : i32
      %parallel_loop3A_167 = arith.constant 999 : i32
      %parallel_loop3A_168 = vector.broadcast %parallel_loop3A_166 : i32 to vector<16xi32>
      %parallel_loop3A_169 = arith.maxsi %parallel_loop3A_168, %parallel_loop3A_165 : vector<16xi32>
      %parallel_loop3A_170 = vector.broadcast %parallel_loop3A_167 : i32 to vector<16xi32>
      %parallel_loop3A_171 = arith.minsi %parallel_loop3A_170, %parallel_loop3A_169 : vector<16xi32>
      %parallel_loop3A_172 = arith.constant 1000 : i32
      %parallel_loop3A_173 = vector.broadcast %parallel_loop3A_172 : i32 to vector<16xi32>
      %parallel_loop3A_174 = arith.addi %parallel_loop3A_171, %parallel_loop3A_173 : vector<16xi32>
      %parallel_loop3A_175 = tpu.vector_load_idx %arg4[%parallel_loop3A_174] : memref<2048xf32, #tpu.memory_space<vmem>>[vector<16xi32>], vector<16xf32>,
      %parallel_loop3A_176 = arith.constant 8320 : i32
      %parallel_loop3A_177 = arith.addi %parallel_loop3A_176, %parallel_loop3A_160 : i32
      %parallel_loop3A_178 = arith.index_cast %parallel_loop3A_177 : i32 to index
      %parallel_loop3A_179 = tpu.vector_load %arg5[%parallel_loop3A_178] {strides = array<i32>} : memref<33280xf32, #tpu.memory_space<vmem>>, vector<16xf32>,
      tpu.vector_store %arg5[%parallel_loop3A_178], %parallel_loop3A_175 {strides = array<i32>} : memref<33280xf32, #tpu.memory_space<vmem>>, vector<16xf32>,
    } {sc.loop_unroll_factor = 8 : i64, sc.parallel_access}
    %parallel_loop3A_45 = arith.constant 1 : i32
    scf.for %parallel_loop3A_158 = %mul3A_36 to %add3A_42 step %parallel_loop3A_45  : i32 {
      %parallel_loop3A_159 = arith.constant 16 : i32
      %parallel_loop3A_160 = arith.muli %parallel_loop3A_158, %parallel_loop3A_159 : i32
      %parallel_loop3A_161 = vector.broadcast %parallel_loop3A_160 : i32 to vector<16xi32>
      %parallel_loop3A_162 = arith.addi %parallel_loop3A_161, %iota3A : vector<16xi32>
      %parallel_loop3A_163 = arith.constant -2044 : i32
      %parallel_loop3A_164 = vector.broadcast %parallel_loop3A_163 : i32 to vector<16xi32>
      %parallel_loop3A_165 = arith.addi %parallel_loop3A_162, %parallel_loop3A_164 : vector<16xi32>
      %parallel_loop3A_166 = arith.constant -1000 : i32
      %parallel_loop3A_167 = arith.constant 999 : i32
      %parallel_loop3A_168 = vector.broadcast %parallel_loop3A_166 : i32 to vector<16xi32>
      %parallel_loop3A_169 = arith.maxsi %parallel_loop3A_168, %parallel_loop3A_165 : vector<16xi32>
      %parallel_loop3A_170 = vector.broadcast %parallel_loop3A_167 : i32 to vector<16xi32>
      %parallel_loop3A_171 = arith.minsi %parallel_loop3A_170, %parallel_loop3A_169 : vector<16xi32>
      %parallel_loop3A_172 = arith.constant 1000 : i32
      %parallel_loop3A_173 = vector.broadcast %parallel_loop3A_172 : i32 to vector<16xi32>
      %parallel_loop3A_174 = arith.addi %parallel_loop3A_171, %parallel_loop3A_173 : vector<16xi32>
      %parallel_loop3A_175 = tpu.vector_load_idx %arg4[%parallel_loop3A_174] : memref<2048xf32, #tpu.memory_space<vmem>>[vector<16xi32>], vector<16xf32>,
      %parallel_loop3A_176 = arith.constant 12480 : i32
      %parallel_loop3A_177 = arith.addi %parallel_loop3A_176, %parallel_loop3A_160 : i32
      %parallel_loop3A_178 = arith.index_cast %parallel_loop3A_177 : i32 to index
      %parallel_loop3A_179 = tpu.vector_load %arg5[%parallel_loop3A_178] {strides = array<i32>} : memref<33280xf32, #tpu.memory_space<vmem>>, vector<16xf32>,
      tpu.vector_store %arg5[%parallel_loop3A_178], %parallel_loop3A_175 {strides = array<i32>} : memref<33280xf32, #tpu.memory_space<vmem>>, vector<16xf32>,
    } {sc.loop_unroll_factor = 8 : i64, sc.parallel_access}
    %parallel_loop3A_46 = arith.constant 1 : i32
    scf.for %parallel_loop3A_158 = %mul3A_36 to %add3A_42 step %parallel_loop3A_46  : i32 {
      %parallel_loop3A_159 = arith.constant 16 : i32
      %parallel_loop3A_160 = arith.muli %parallel_loop3A_158, %parallel_loop3A_159 : i32
      %parallel_loop3A_161 = vector.broadcast %parallel_loop3A_160 : i32 to vector<16xi32>
      %parallel_loop3A_162 = arith.addi %parallel_loop3A_161, %iota3A : vector<16xi32>
      %parallel_loop3A_163 = arith.constant -2043 : i32
      %parallel_loop3A_164 = vector.broadcast %parallel_loop3A_163 : i32 to vector<16xi32>
      %parallel_loop3A_165 = arith.addi %parallel_loop3A_162, %parallel_loop3A_164 : vector<16xi32>
      %parallel_loop3A_166 = arith.constant -1000 : i32
      %parallel_loop3A_167 = arith.constant 999 : i32
      %parallel_loop3A_168 = vector.broadcast %parallel_loop3A_166 : i32 to vector<16xi32>
      %parallel_loop3A_169 = arith.maxsi %parallel_loop3A_168, %parallel_loop3A_165 : vector<16xi32>
      %parallel_loop3A_170 = vector.broadcast %parallel_loop3A_167 : i32 to vector<16xi32>
      %parallel_loop3A_171 = arith.minsi %parallel_loop3A_170, %parallel_loop3A_169 : vector<16xi32>
      %parallel_loop3A_172 = arith.constant 1000 : i32
      %parallel_loop3A_173 = vector.broadcast %parallel_loop3A_172 : i32 to vector<16xi32>
      %parallel_loop3A_174 = arith.addi %parallel_loop3A_171, %parallel_loop3A_173 : vector<16xi32>
      %parallel_loop3A_175 = tpu.vector_load_idx %arg4[%parallel_loop3A_174] : memref<2048xf32, #tpu.memory_space<vmem>>[vector<16xi32>], vector<16xf32>,
      %parallel_loop3A_176 = arith.constant 16640 : i32
      %parallel_loop3A_177 = arith.addi %parallel_loop3A_176, %parallel_loop3A_160 : i32
      %parallel_loop3A_178 = arith.index_cast %parallel_loop3A_177 : i32 to index
      %parallel_loop3A_179 = tpu.vector_load %arg5[%parallel_loop3A_178] {strides = array<i32>} : memref<33280xf32, #tpu.memory_space<vmem>>, vector<16xf32>,
      tpu.vector_store %arg5[%parallel_loop3A_178], %parallel_loop3A_175 {strides = array<i32>} : memref<33280xf32, #tpu.memory_space<vmem>>, vector<16xf32>,
    } {sc.loop_unroll_factor = 8 : i64, sc.parallel_access}
    %parallel_loop3A_47 = arith.constant 1 : i32
    scf.for %parallel_loop3A_158 = %mul3A_36 to %add3A_42 step %parallel_loop3A_47  : i32 {
      %parallel_loop3A_159 = arith.constant 16 : i32
      %parallel_loop3A_160 = arith.muli %parallel_loop3A_158, %parallel_loop3A_159 : i32
      %parallel_loop3A_161 = vector.broadcast %parallel_loop3A_160 : i32 to vector<16xi32>
      %parallel_loop3A_162 = arith.addi %parallel_loop3A_161, %iota3A : vector<16xi32>
      %parallel_loop3A_163 = arith.constant -2042 : i32
      %parallel_loop3A_164 = vector.broadcast %parallel_loop3A_163 : i32 to vector<16xi32>
      %parallel_loop3A_165 = arith.addi %parallel_loop3A_162, %parallel_loop3A_164 : vector<16xi32>
      %parallel_loop3A_166 = arith.constant -1000 : i32
      %parallel_loop3A_167 = arith.constant 999 : i32
      %parallel_loop3A_168 = vector.broadcast %parallel_loop3A_166 : i32 to vector<16xi32>
      %parallel_loop3A_169 = arith.maxsi %parallel_loop3A_168, %parallel_loop3A_165 : vector<16xi32>
      %parallel_loop3A_170 = vector.broadcast %parallel_loop3A_167 : i32 to vector<16xi32>
      %parallel_loop3A_171 = arith.minsi %parallel_loop3A_170, %parallel_loop3A_169 : vector<16xi32>
      %parallel_loop3A_172 = arith.constant 1000 : i32
      %parallel_loop3A_173 = vector.broadcast %parallel_loop3A_172 : i32 to vector<16xi32>
      %parallel_loop3A_174 = arith.addi %parallel_loop3A_171, %parallel_loop3A_173 : vector<16xi32>
      %parallel_loop3A_175 = tpu.vector_load_idx %arg4[%parallel_loop3A_174] : memref<2048xf32, #tpu.memory_space<vmem>>[vector<16xi32>], vector<16xf32>,
      %parallel_loop3A_176 = arith.constant 20800 : i32
      %parallel_loop3A_177 = arith.addi %parallel_loop3A_176, %parallel_loop3A_160 : i32
      %parallel_loop3A_178 = arith.index_cast %parallel_loop3A_177 : i32 to index
      %parallel_loop3A_179 = tpu.vector_load %arg5[%parallel_loop3A_178] {strides = array<i32>} : memref<33280xf32, #tpu.memory_space<vmem>>, vector<16xf32>,
      tpu.vector_store %arg5[%parallel_loop3A_178], %parallel_loop3A_175 {strides = array<i32>} : memref<33280xf32, #tpu.memory_space<vmem>>, vector<16xf32>,
    } {sc.loop_unroll_factor = 8 : i64, sc.parallel_access}
    %parallel_loop3A_48 = arith.constant 1 : i32
    scf.for %parallel_loop3A_158 = %mul3A_36 to %add3A_42 step %parallel_loop3A_48  : i32 {
      %parallel_loop3A_159 = arith.constant 16 : i32
      %parallel_loop3A_160 = arith.muli %parallel_loop3A_158, %parallel_loop3A_159 : i32
      %parallel_loop3A_161 = vector.broadcast %parallel_loop3A_160 : i32 to vector<16xi32>
      %parallel_loop3A_162 = arith.addi %parallel_loop3A_161, %iota3A : vector<16xi32>
      %parallel_loop3A_163 = arith.constant -2041 : i32
      %parallel_loop3A_164 = vector.broadcast %parallel_loop3A_163 : i32 to vector<16xi32>
      %parallel_loop3A_165 = arith.addi %parallel_loop3A_162, %parallel_loop3A_164 : vector<16xi32>
      %parallel_loop3A_166 = arith.constant -1000 : i32
      %parallel_loop3A_167 = arith.constant 999 : i32
      %parallel_loop3A_168 = vector.broadcast %parallel_loop3A_166 : i32 to vector<16xi32>
      %parallel_loop3A_169 = arith.maxsi %parallel_loop3A_168, %parallel_loop3A_165 : vector<16xi32>
      %parallel_loop3A_170 = vector.broadcast %parallel_loop3A_167 : i32 to vector<16xi32>
      %parallel_loop3A_171 = arith.minsi %parallel_loop3A_170, %parallel_loop3A_169 : vector<16xi32>
      %parallel_loop3A_172 = arith.constant 1000 : i32
      %parallel_loop3A_173 = vector.broadcast %parallel_loop3A_172 : i32 to vector<16xi32>
      %parallel_loop3A_174 = arith.addi %parallel_loop3A_171, %parallel_loop3A_173 : vector<16xi32>
      %parallel_loop3A_175 = tpu.vector_load_idx %arg4[%parallel_loop3A_174] : memref<2048xf32, #tpu.memory_space<vmem>>[vector<16xi32>], vector<16xf32>,
      %parallel_loop3A_176 = arith.constant 24960 : i32
      %parallel_loop3A_177 = arith.addi %parallel_loop3A_176, %parallel_loop3A_160 : i32
      %parallel_loop3A_178 = arith.index_cast %parallel_loop3A_177 : i32 to index
      %parallel_loop3A_179 = tpu.vector_load %arg5[%parallel_loop3A_178] {strides = array<i32>} : memref<33280xf32, #tpu.memory_space<vmem>>, vector<16xf32>,
      tpu.vector_store %arg5[%parallel_loop3A_178], %parallel_loop3A_175 {strides = array<i32>} : memref<33280xf32, #tpu.memory_space<vmem>>, vector<16xf32>,
    } {sc.loop_unroll_factor = 8 : i64, sc.parallel_access}
    %parallel_loop3A_49 = arith.constant 1 : i32
    scf.for %parallel_loop3A_158 = %mul3A_36 to %add3A_42 step %parallel_loop3A_49  : i32 {
      %parallel_loop3A_159 = arith.constant 16 : i32
      %parallel_loop3A_160 = arith.muli %parallel_loop3A_158, %parallel_loop3A_159 : i32
      %parallel_loop3A_161 = vector.broadcast %parallel_loop3A_160 : i32 to vector<16xi32>
      %parallel_loop3A_162 = arith.addi %parallel_loop3A_161, %iota3A : vector<16xi32>
      %parallel_loop3A_163 = arith.constant -2040 : i32
      %parallel_loop3A_164 = vector.broadcast %parallel_loop3A_163 : i32 to vector<16xi32>
      %parallel_loop3A_165 = arith.addi %parallel_loop3A_162, %parallel_loop3A_164 : vector<16xi32>
      %parallel_loop3A_166 = arith.constant -1000 : i32
      %parallel_loop3A_167 = arith.constant 999 : i32
      %parallel_loop3A_168 = vector.broadcast %parallel_loop3A_166 : i32 to vector<16xi32>
      %parallel_loop3A_169 = arith.maxsi %parallel_loop3A_168, %parallel_loop3A_165 : vector<16xi32>
      %parallel_loop3A_170 = vector.broadcast %parallel_loop3A_167 : i32 to vector<16xi32>
      %parallel_loop3A_171 = arith.minsi %parallel_loop3A_170, %parallel_loop3A_169 : vector<16xi32>
      %parallel_loop3A_172 = arith.constant 1000 : i32
      %parallel_loop3A_173 = vector.broadcast %parallel_loop3A_172 : i32 to vector<16xi32>
      %parallel_loop3A_174 = arith.addi %parallel_loop3A_171, %parallel_loop3A_173 : vector<16xi32>
      %parallel_loop3A_175 = tpu.vector_load_idx %arg4[%parallel_loop3A_174] : memref<2048xf32, #tpu.memory_space<vmem>>[vector<16xi32>], vector<16xf32>,
      %parallel_loop3A_176 = arith.constant 29120 : i32
      %parallel_loop3A_177 = arith.addi %parallel_loop3A_176, %parallel_loop3A_160 : i32
      %parallel_loop3A_178 = arith.index_cast %parallel_loop3A_177 : i32 to index
      %parallel_loop3A_179 = tpu.vector_load %arg5[%parallel_loop3A_178] {strides = array<i32>} : memref<33280xf32, #tpu.memory_space<vmem>>, vector<16xf32>,
      tpu.vector_store %arg5[%parallel_loop3A_178], %parallel_loop3A_175 {strides = array<i32>} : memref<33280xf32, #tpu.memory_space<vmem>>, vector<16xf32>,
    } {sc.loop_unroll_factor = 8 : i64, sc.parallel_access}
    %scan3A = arith.constant 0 : i32
    %scan3A_50 = arith.constant 0 : i32
    %scan3A_51 = arith.constant 128 : i32
    %scan3A_52 = arith.addi %scan3A_50, %scan3A_51 : i32
    %scan3A_53 = arith.constant 1 : i32
    scf.for %scan3A_158 = %scan3A_50 to %scan3A_52 step %scan3A_53  : i32 {
      %mul3A_159 = arith.constant 8 : i32
      %mul3A_160 = arith.muli %mul3A_159, %scan3A_158 : i32
      %add3A_161 = arith.addi %mul3A_32, %mul3A_160 : i32
      %add3A_162 = arith.constant 0 : i32
      %add3A_163 = arith.addi %add3A_161, %add3A_162 : i32
      %sub3A_164 = arith.constant 2047 : i32
      %sub3A_165 = arith.subi %sub3A_164, %add3A_163 : i32
      %add3A_166 = arith.constant 29113 : i32
      %add3A_167 = arith.addi %sub3A_165, %add3A_166 : i32
      %multiple_of3A = tpu.assume_multiple %add3A_167, 8 : i32
      %dma_start3A = arith.constant 0 : i32
      %dma_start3A_168 = tpu.memref_slice %arg5[%multiple_of3A] : memref<33280xf32, #tpu.memory_space<vmem>> -> memref<2048xf32, #tpu.memory_space<vmem>>
      %dma_start3A_169 = arith.constant 0 : i32
      %dma_start3A_170 = tpu.memref_slice %arg3[%dma_start3A, %select_n3A, %add3A_163, %dma_start3A_169] : memref<1x16x2048x2048xf32, #tpu.memory_space<hbm>> -> memref<1x1x1x2048xf32, #tpu.memory_space<hbm>>
      %dma_start3A_171 = tpu.memref_squeeze %dma_start3A_170 : memref<1x1x1x2048xf32, #tpu.memory_space<hbm>> -> memref<2048xf32, #tpu.memory_space<hbm>>
      %dma_start3A_172 = arith.constant 0 : i32
      %dma_start3A_173 = tpu.memref_slice %arg3[%dma_start3A, %select_n3A, %add3A_163, %dma_start3A_172] : memref<1x16x2048x2048xf32, #tpu.memory_space<hbm>> -> memref<1x1x1x2048xf32, #tpu.memory_space<hbm>>
      %dma_start3A_174 = tpu.memref_squeeze %dma_start3A_173 : memref<1x1x1x2048xf32, #tpu.memory_space<hbm>> -> memref<2048xf32, #tpu.memory_space<hbm>>
      %dma_start3A_175 = tpu.memref_slice %arg5[%multiple_of3A] : memref<33280xf32, #tpu.memory_space<vmem>> -> memref<2048xf32, #tpu.memory_space<vmem>>
      tpu.enqueue_dma source(%dma_start3A_175 : memref<2048xf32, #tpu.memory_space<vmem>>) target(%dma_start3A_174 : memref<2048xf32, #tpu.memory_space<hbm>>) target_semaphore(%arg6 : memref<!tpu.dma_semaphore, #tpu.memory_space<semaphore_mem>>)
      %add3A_176 = arith.constant 1 : i32
      %add3A_177 = arith.addi %add3A_161, %add3A_176 : i32
      %sub3A_178 = arith.constant 2047 : i32
      %sub3A_179 = arith.subi %sub3A_178, %add3A_177 : i32
      %add3A_180 = arith.constant 24954 : i32
      %add3A_181 = arith.addi %sub3A_179, %add3A_180 : i32
      %multiple_of3A_182 = tpu.assume_multiple %add3A_181, 8 : i32
      %dma_start3A_183 = arith.constant 0 : i32
      %dma_start3A_184 = tpu.memref_slice %arg5[%multiple_of3A_182] : memref<33280xf32, #tpu.memory_space<vmem>> -> memref<2048xf32, #tpu.memory_space<vmem>>
      %dma_start3A_185 = arith.constant 0 : i32
      %dma_start3A_186 = tpu.memref_slice %arg3[%dma_start3A_183, %select_n3A, %add3A_177, %dma_start3A_185] : memref<1x16x2048x2048xf32, #tpu.memory_space<hbm>> -> memref<1x1x1x2048xf32, #tpu.memory_space<hbm>>
      %dma_start3A_187 = tpu.memref_squeeze %dma_start3A_186 : memref<1x1x1x2048xf32, #tpu.memory_space<hbm>> -> memref<2048xf32, #tpu.memory_space<hbm>>
      %dma_start3A_188 = arith.constant 0 : i32
      %dma_start3A_189 = tpu.memref_slice %arg3[%dma_start3A_183, %select_n3A, %add3A_177, %dma_start3A_188] : memref<1x16x2048x2048xf32, #tpu.memory_space<hbm>> -> memref<1x1x1x2048xf32, #tpu.memory_space<hbm>>
      %dma_start3A_190 = tpu.memref_squeeze %dma_start3A_189 : memref<1x1x1x2048xf32, #tpu.memory_space<hbm>> -> memref<2048xf32, #tpu.memory_space<hbm>>
      %dma_start3A_191 = tpu.memref_slice %arg5[%multiple_of3A_182] : memref<33280xf32, #tpu.memory_space<vmem>> -> memref<2048xf32, #tpu.memory_space<vmem>>
      tpu.enqueue_dma source(%dma_start3A_191 : memref<2048xf32, #tpu.memory_space<vmem>>) target(%dma_start3A_190 : memref<2048xf32, #tpu.memory_space<hbm>>) target_semaphore(%arg6 : memref<!tpu.dma_semaphore, #tpu.memory_space<semaphore_mem>>)
      %add3A_192 = arith.constant 2 : i32
      %add3A_193 = arith.addi %add3A_161, %add3A_192 : i32
      %sub3A_194 = arith.constant 2047 : i32
      %sub3A_195 = arith.subi %sub3A_194, %add3A_193 : i32
      %add3A_196 = arith.constant 20795 : i32
      %add3A_197 = arith.addi %sub3A_195, %add3A_196 : i32
      %multiple_of3A_198 = tpu.assume_multiple %add3A_197, 8 : i32
      %dma_start3A_199 = arith.constant 0 : i32
      %dma_start3A_200 = tpu.memref_slice %arg5[%multiple_of3A_198] : memref<33280xf32, #tpu.memory_space<vmem>> -> memref<2048xf32, #tpu.memory_space<vmem>>
      %dma_start3A_201 = arith.constant 0 : i32
      %dma_start3A_202 = tpu.memref_slice %arg3[%dma_start3A_199, %select_n3A, %add3A_193, %dma_start3A_201] : memref<1x16x2048x2048xf32, #tpu.memory_space<hbm>> -> memref<1x1x1x2048xf32, #tpu.memory_space<hbm>>
      %dma_start3A_203 = tpu.memref_squeeze %dma_start3A_202 : memref<1x1x1x2048xf32, #tpu.memory_space<hbm>> -> memref<2048xf32, #tpu.memory_space<hbm>>
      %dma_start3A_204 = arith.constant 0 : i32
      %dma_start3A_205 = tpu.memref_slice %arg3[%dma_start3A_199, %select_n3A, %add3A_193, %dma_start3A_204] : memref<1x16x2048x2048xf32, #tpu.memory_space<hbm>> -> memref<1x1x1x2048xf32, #tpu.memory_space<hbm>>
      %dma_start3A_206 = tpu.memref_squeeze %dma_start3A_205 : memref<1x1x1x2048xf32, #tpu.memory_space<hbm>> -> memref<2048xf32, #tpu.memory_space<hbm>>
      %dma_start3A_207 = tpu.memref_slice %arg5[%multiple_of3A_198] : memref<33280xf32, #tpu.memory_space<vmem>> -> memref<2048xf32, #tpu.memory_space<vmem>>
      tpu.enqueue_dma source(%dma_start3A_207 : memref<2048xf32, #tpu.memory_space<vmem>>) target(%dma_start3A_206 : memref<2048xf32, #tpu.memory_space<hbm>>) target_semaphore(%arg6 : memref<!tpu.dma_semaphore, #tpu.memory_space<semaphore_mem>>)
      %add3A_208 = arith.constant 3 : i32
      %add3A_209 = arith.addi %add3A_161, %add3A_208 : i32
      %sub3A_210 = arith.constant 2047 : i32
      %sub3A_211 = arith.subi %sub3A_210, %add3A_209 : i32
      %add3A_212 = arith.constant 16636 : i32
      %add3A_213 = arith.addi %sub3A_211, %add3A_212 : i32
      %multiple_of3A_214 = tpu.assume_multiple %add3A_213, 8 : i32
      %dma_start3A_215 = arith.constant 0 : i32
      %dma_start3A_216 = tpu.memref_slice %arg5[%multiple_of3A_214] : memref<33280xf32, #tpu.memory_space<vmem>> -> memref<2048xf32, #tpu.memory_space<vmem>>
      %dma_start3A_217 = arith.constant 0 : i32
      %dma_start3A_218 = tpu.memref_slice %arg3[%dma_start3A_215, %select_n3A, %add3A_209, %dma_start3A_217] : memref<1x16x2048x2048xf32, #tpu.memory_space<hbm>> -> memref<1x1x1x2048xf32, #tpu.memory_space<hbm>>
      %dma_start3A_219 = tpu.memref_squeeze %dma_start3A_218 : memref<1x1x1x2048xf32, #tpu.memory_space<hbm>> -> memref<2048xf32, #tpu.memory_space<hbm>>
      %dma_start3A_220 = arith.constant 0 : i32
      %dma_start3A_221 = tpu.memref_slice %arg3[%dma_start3A_215, %select_n3A, %add3A_209, %dma_start3A_220] : memref<1x16x2048x2048xf32, #tpu.memory_space<hbm>> -> memref<1x1x1x2048xf32, #tpu.memory_space<hbm>>
      %dma_start3A_222 = tpu.memref_squeeze %dma_start3A_221 : memref<1x1x1x2048xf32, #tpu.memory_space<hbm>> -> memref<2048xf32, #tpu.memory_space<hbm>>
      %dma_start3A_223 = tpu.memref_slice %arg5[%multiple_of3A_214] : memref<33280xf32, #tpu.memory_space<vmem>> -> memref<2048xf32, #tpu.memory_space<vmem>>
      tpu.enqueue_dma source(%dma_start3A_223 : memref<2048xf32, #tpu.memory_space<vmem>>) target(%dma_start3A_222 : memref<2048xf32, #tpu.memory_space<hbm>>) target_semaphore(%arg6 : memref<!tpu.dma_semaphore, #tpu.memory_space<semaphore_mem>>)
      %add3A_224 = arith.constant 4 : i32
      %add3A_225 = arith.addi %add3A_161, %add3A_224 : i32
      %sub3A_226 = arith.constant 2047 : i32
      %sub3A_227 = arith.subi %sub3A_226, %add3A_225 : i32
      %add3A_228 = arith.constant 12477 : i32
      %add3A_229 = arith.addi %sub3A_227, %add3A_228 : i32
      %multiple_of3A_230 = tpu.assume_multiple %add3A_229, 8 : i32
      %dma_start3A_231 = arith.constant 0 : i32
      %dma_start3A_232 = tpu.memref_slice %arg5[%multiple_of3A_230] : memref<33280xf32, #tpu.memory_space<vmem>> -> memref<2048xf32, #tpu.memory_space<vmem>>
      %dma_start3A_233 = arith.constant 0 : i32
      %dma_start3A_234 = tpu.memref_slice %arg3[%dma_start3A_231, %select_n3A, %add3A_225, %dma_start3A_233] : memref<1x16x2048x2048xf32, #tpu.memory_space<hbm>> -> memref<1x1x1x2048xf32, #tpu.memory_space<hbm>>
      %dma_start3A_235 = tpu.memref_squeeze %dma_start3A_234 : memref<1x1x1x2048xf32, #tpu.memory_space<hbm>> -> memref<2048xf32, #tpu.memory_space<hbm>>
      %dma_start3A_236 = arith.constant 0 : i32
      %dma_start3A_237 = tpu.memref_slice %arg3[%dma_start3A_231, %select_n3A, %add3A_225, %dma_start3A_236] : memref<1x16x2048x2048xf32, #tpu.memory_space<hbm>> -> memref<1x1x1x2048xf32, #tpu.memory_space<hbm>>
      %dma_start3A_238 = tpu.memref_squeeze %dma_start3A_237 : memref<1x1x1x2048xf32, #tpu.memory_space<hbm>> -> memref<2048xf32, #tpu.memory_space<hbm>>
      %dma_start3A_239 = tpu.memref_slice %arg5[%multiple_of3A_230] : memref<33280xf32, #tpu.memory_space<vmem>> -> memref<2048xf32, #tpu.memory_space<vmem>>
      tpu.enqueue_dma source(%dma_start3A_239 : memref<2048xf32, #tpu.memory_space<vmem>>) target(%dma_start3A_238 : memref<2048xf32, #tpu.memory_space<hbm>>) target_semaphore(%arg6 : memref<!tpu.dma_semaphore, #tpu.memory_space<semaphore_mem>>)
      %add3A_240 = arith.constant 5 : i32
      %add3A_241 = arith.addi %add3A_161, %add3A_240 : i32
      %sub3A_242 = arith.constant 2047 : i32
      %sub3A_243 = arith.subi %sub3A_242, %add3A_241 : i32
      %add3A_244 = arith.constant 8318 : i32
      %add3A_245 = arith.addi %sub3A_243, %add3A_244 : i32
      %multiple_of3A_246 = tpu.assume_multiple %add3A_245, 8 : i32
      %dma_start3A_247 = arith.constant 0 : i32
      %dma_start3A_248 = tpu.memref_slice %arg5[%multiple_of3A_246] : memref<33280xf32, #tpu.memory_space<vmem>> -> memref<2048xf32, #tpu.memory_space<vmem>>
      %dma_start3A_249 = arith.constant 0 : i32
      %dma_start3A_250 = tpu.memref_slice %arg3[%dma_start3A_247, %select_n3A, %add3A_241, %dma_start3A_249] : memref<1x16x2048x2048xf32, #tpu.memory_space<hbm>> -> memref<1x1x1x2048xf32, #tpu.memory_space<hbm>>
      %dma_start3A_251 = tpu.memref_squeeze %dma_start3A_250 : memref<1x1x1x2048xf32, #tpu.memory_space<hbm>> -> memref<2048xf32, #tpu.memory_space<hbm>>
      %dma_start3A_252 = arith.constant 0 : i32
      %dma_start3A_253 = tpu.memref_slice %arg3[%dma_start3A_247, %select_n3A, %add3A_241, %dma_start3A_252] : memref<1x16x2048x2048xf32, #tpu.memory_space<hbm>> -> memref<1x1x1x2048xf32, #tpu.memory_space<hbm>>
      %dma_start3A_254 = tpu.memref_squeeze %dma_start3A_253 : memref<1x1x1x2048xf32, #tpu.memory_space<hbm>> -> memref<2048xf32, #tpu.memory_space<hbm>>
      %dma_start3A_255 = tpu.memref_slice %arg5[%multiple_of3A_246] : memref<33280xf32, #tpu.memory_space<vmem>> -> memref<2048xf32, #tpu.memory_space<vmem>>
      tpu.enqueue_dma source(%dma_start3A_255 : memref<2048xf32, #tpu.memory_space<vmem>>) target(%dma_start3A_254 : memref<2048xf32, #tpu.memory_space<hbm>>) target_semaphore(%arg6 : memref<!tpu.dma_semaphore, #tpu.memory_space<semaphore_mem>>)
      %add3A_256 = arith.constant 6 : i32
      %add3A_257 = arith.addi %add3A_161, %add3A_256 : i32
      %sub3A_258 = arith.constant 2047 : i32
      %sub3A_259 = arith.subi %sub3A_258, %add3A_257 : i32
      %add3A_260 = arith.constant 4159 : i32
      %add3A_261 = arith.addi %sub3A_259, %add3A_260 : i32
      %multiple_of3A_262 = tpu.assume_multiple %add3A_261, 8 : i32
      %dma_start3A_263 = arith.constant 0 : i32
      %dma_start3A_264 = tpu.memref_slice %arg5[%multiple_of3A_262] : memref<33280xf32, #tpu.memory_space<vmem>> -> memref<2048xf32, #tpu.memory_space<vmem>>
      %dma_start3A_265 = arith.constant 0 : i32
      %dma_start3A_266 = tpu.memref_slice %arg3[%dma_start3A_263, %select_n3A, %add3A_257, %dma_start3A_265] : memref<1x16x2048x2048xf32, #tpu.memory_space<hbm>> -> memref<1x1x1x2048xf32, #tpu.memory_space<hbm>>
      %dma_start3A_267 = tpu.memref_squeeze %dma_start3A_266 : memref<1x1x1x2048xf32, #tpu.memory_space<hbm>> -> memref<2048xf32, #tpu.memory_space<hbm>>
      %dma_start3A_268 = arith.constant 0 : i32
      %dma_start3A_269 = tpu.memref_slice %arg3[%dma_start3A_263, %select_n3A, %add3A_257, %dma_start3A_268] : memref<1x16x2048x2048xf32, #tpu.memory_space<hbm>> -> memref<1x1x1x2048xf32, #tpu.memory_space<hbm>>
      %dma_start3A_270 = tpu.memref_squeeze %dma_start3A_269 : memref<1x1x1x2048xf32, #tpu.memory_space<hbm>> -> memref<2048xf32, #tpu.memory_space<hbm>>
      %dma_start3A_271 = tpu.memref_slice %arg5[%multiple_of3A_262] : memref<33280xf32, #tpu.memory_space<vmem>> -> memref<2048xf32, #tpu.memory_space<vmem>>
      tpu.enqueue_dma source(%dma_start3A_271 : memref<2048xf32, #tpu.memory_space<vmem>>) target(%dma_start3A_270 : memref<2048xf32, #tpu.memory_space<hbm>>) target_semaphore(%arg6 : memref<!tpu.dma_semaphore, #tpu.memory_space<semaphore_mem>>)
      %add3A_272 = arith.constant 7 : i32
      %add3A_273 = arith.addi %add3A_161, %add3A_272 : i32
      %sub3A_274 = arith.constant 2047 : i32
      %sub3A_275 = arith.subi %sub3A_274, %add3A_273 : i32
      %add3A_276 = arith.constant 0 : i32
      %add3A_277 = arith.addi %sub3A_275, %add3A_276 : i32
      %multiple_of3A_278 = tpu.assume_multiple %add3A_277, 8 : i32
      %dma_start3A_279 = arith.constant 0 : i32
      %dma_start3A_280 = tpu.memref_slice %arg5[%multiple_of3A_278] : memref<33280xf32, #tpu.memory_space<vmem>> -> memref<2048xf32, #tpu.memory_space<vmem>>
      %dma_start3A_281 = arith.constant 0 : i32
      %dma_start3A_282 = tpu.memref_slice %arg3[%dma_start3A_279, %select_n3A, %add3A_273, %dma_start3A_281] : memref<1x16x2048x2048xf32, #tpu.memory_space<hbm>> -> memref<1x1x1x2048xf32, #tpu.memory_space<hbm>>
      %dma_start3A_283 = tpu.memref_squeeze %dma_start3A_282 : memref<1x1x1x2048xf32, #tpu.memory_space<hbm>> -> memref<2048xf32, #tpu.memory_space<hbm>>
      %dma_start3A_284 = arith.constant 0 : i32
      %dma_start3A_285 = tpu.memref_slice %arg3[%dma_start3A_279, %select_n3A, %add3A_273, %dma_start3A_284] : memref<1x16x2048x2048xf32, #tpu.memory_space<hbm>> -> memref<1x1x1x2048xf32, #tpu.memory_space<hbm>>
      %dma_start3A_286 = tpu.memref_squeeze %dma_start3A_285 : memref<1x1x1x2048xf32, #tpu.memory_space<hbm>> -> memref<2048xf32, #tpu.memory_space<hbm>>
      %dma_start3A_287 = tpu.memref_slice %arg5[%multiple_of3A_278] : memref<33280xf32, #tpu.memory_space<vmem>> -> memref<2048xf32, #tpu.memory_space<vmem>>
      tpu.enqueue_dma source(%dma_start3A_287 : memref<2048xf32, #tpu.memory_space<vmem>>) target(%dma_start3A_286 : memref<2048xf32, #tpu.memory_space<hbm>>) target_semaphore(%arg6 : memref<!tpu.dma_semaphore, #tpu.memory_space<semaphore_mem>>)
      %gt3A = arith.constant 0 : i32
      %gt3A_288 = arith.cmpi sgt, %scan3A_158, %gt3A : i32
      %convert_element_type3A = arith.extui %gt3A_288 : i1 to i32
      %cond3A = arith.constant 0 : i32
      %cond3A_289 = arith.cmpi ne, %convert_element_type3A, %cond3A : i32
      scf.if %cond3A_289 {
        %add3A_290 = arith.constant 0 : i32
        %add3A_291 = arith.addi %add3A_161, %add3A_290 : i32
        %dma_wait3A_292 = arith.constant 0 : i32
        %dma_wait3A_293 = arith.constant 0 : i32
        %dma_wait3A_294 = tpu.memref_slice %arg5[%dma_wait3A_293] : memref<33280xf32, #tpu.memory_space<vmem>> -> memref<2048xf32, #tpu.memory_space<vmem>>
        %dma_wait3A_295 = arith.constant 0 : i32
        %dma_wait3A_296 = tpu.memref_slice %arg3[%dma_wait3A_292, %select_n3A, %add3A_291, %dma_wait3A_295] : memref<1x16x2048x2048xf32, #tpu.memory_space<hbm>> -> memref<1x1x1x2048xf32, #tpu.memory_space<hbm>>
        %dma_wait3A_297 = tpu.memref_squeeze %dma_wait3A_296 : memref<1x1x1x2048xf32, #tpu.memory_space<hbm>> -> memref<2048xf32, #tpu.memory_space<hbm>>
        %dma_wait3A_298 = arith.constant 0 : i32
        %dma_wait3A_299 = tpu.memref_slice %arg3[%dma_wait3A_292, %select_n3A, %add3A_291, %dma_wait3A_298] : memref<1x16x2048x2048xf32, #tpu.memory_space<hbm>> -> memref<1x1x1x2048xf32, #tpu.memory_space<hbm>>
        %dma_wait3A_300 = tpu.memref_squeeze %dma_wait3A_299 : memref<1x1x1x2048xf32, #tpu.memory_space<hbm>> -> memref<2048xf32, #tpu.memory_space<hbm>>
        %dma_wait3A_301 = arith.constant 0 : i32
        %dma_wait3A_302 = tpu.memref_slice %arg5[%dma_wait3A_301] : memref<33280xf32, #tpu.memory_space<vmem>> -> memref<2048xf32, #tpu.memory_space<vmem>>
        tpu.wait_dma2 semaphore(%arg6 : memref<!tpu.dma_semaphore, #tpu.memory_space<semaphore_mem>>) src(%dma_wait3A_302 : memref<2048xf32, #tpu.memory_space<vmem>>) dst(%dma_wait3A_300 : memref<2048xf32, #tpu.memory_space<hbm>>)
        %add3A_303 = arith.constant 1 : i32
        %add3A_304 = arith.addi %add3A_161, %add3A_303 : i32
        %dma_wait3A_305 = arith.constant 0 : i32
        %dma_wait3A_306 = arith.constant 0 : i32
        %dma_wait3A_307 = tpu.memref_slice %arg5[%dma_wait3A_306] : memref<33280xf32, #tpu.memory_space<vmem>> -> memref<2048xf32, #tpu.memory_space<vmem>>
        %dma_wait3A_308 = arith.constant 0 : i32
        %dma_wait3A_309 = tpu.memref_slice %arg3[%dma_wait3A_305, %select_n3A, %add3A_304, %dma_wait3A_308] : memref<1x16x2048x2048xf32, #tpu.memory_space<hbm>> -> memref<1x1x1x2048xf32, #tpu.memory_space<hbm>>
        %dma_wait3A_310 = tpu.memref_squeeze %dma_wait3A_309 : memref<1x1x1x2048xf32, #tpu.memory_space<hbm>> -> memref<2048xf32, #tpu.memory_space<hbm>>
        %dma_wait3A_311 = arith.constant 0 : i32
        %dma_wait3A_312 = tpu.memref_slice %arg3[%dma_wait3A_305, %select_n3A, %add3A_304, %dma_wait3A_311] : memref<1x16x2048x2048xf32, #tpu.memory_space<hbm>> -> memref<1x1x1x2048xf32, #tpu.memory_space<hbm>>
        %dma_wait3A_313 = tpu.memref_squeeze %dma_wait3A_312 : memref<1x1x1x2048xf32, #tpu.memory_space<hbm>> -> memref<2048xf32, #tpu.memory_space<hbm>>
        %dma_wait3A_314 = arith.constant 0 : i32
        %dma_wait3A_315 = tpu.memref_slice %arg5[%dma_wait3A_314] : memref<33280xf32, #tpu.memory_space<vmem>> -> memref<2048xf32, #tpu.memory_space<vmem>>
        tpu.wait_dma2 semaphore(%arg6 : memref<!tpu.dma_semaphore, #tpu.memory_space<semaphore_mem>>) src(%dma_wait3A_315 : memref<2048xf32, #tpu.memory_space<vmem>>) dst(%dma_wait3A_313 : memref<2048xf32, #tpu.memory_space<hbm>>)
        %add3A_316 = arith.constant 2 : i32
        %add3A_317 = arith.addi %add3A_161, %add3A_316 : i32
        %dma_wait3A_318 = arith.constant 0 : i32
        %dma_wait3A_319 = arith.constant 0 : i32
        %dma_wait3A_320 = tpu.memref_slice %arg5[%dma_wait3A_319] : memref<33280xf32, #tpu.memory_space<vmem>> -> memref<2048xf32, #tpu.memory_space<vmem>>
        %dma_wait3A_321 = arith.constant 0 : i32
        %dma_wait3A_322 = tpu.memref_slice %arg3[%dma_wait3A_318, %select_n3A, %add3A_317, %dma_wait3A_321] : memref<1x16x2048x2048xf32, #tpu.memory_space<hbm>> -> memref<1x1x1x2048xf32, #tpu.memory_space<hbm>>
        %dma_wait3A_323 = tpu.memref_squeeze %dma_wait3A_322 : memref<1x1x1x2048xf32, #tpu.memory_space<hbm>> -> memref<2048xf32, #tpu.memory_space<hbm>>
        %dma_wait3A_324 = arith.constant 0 : i32
        %dma_wait3A_325 = tpu.memref_slice %arg3[%dma_wait3A_318, %select_n3A, %add3A_317, %dma_wait3A_324] : memref<1x16x2048x2048xf32, #tpu.memory_space<hbm>> -> memref<1x1x1x2048xf32, #tpu.memory_space<hbm>>
        %dma_wait3A_326 = tpu.memref_squeeze %dma_wait3A_325 : memref<1x1x1x2048xf32, #tpu.memory_space<hbm>> -> memref<2048xf32, #tpu.memory_space<hbm>>
        %dma_wait3A_327 = arith.constant 0 : i32
        %dma_wait3A_328 = tpu.memref_slice %arg5[%dma_wait3A_327] : memref<33280xf32, #tpu.memory_space<vmem>> -> memref<2048xf32, #tpu.memory_space<vmem>>
        tpu.wait_dma2 semaphore(%arg6 : memref<!tpu.dma_semaphore, #tpu.memory_space<semaphore_mem>>) src(%dma_wait3A_328 : memref<2048xf32, #tpu.memory_space<vmem>>) dst(%dma_wait3A_326 : memref<2048xf32, #tpu.memory_space<hbm>>)
        %add3A_329 = arith.constant 3 : i32
        %add3A_330 = arith.addi %add3A_161, %add3A_329 : i32
        %dma_wait3A_331 = arith.constant 0 : i32
        %dma_wait3A_332 = arith.constant 0 : i32
        %dma_wait3A_333 = tpu.memref_slice %arg5[%dma_wait3A_332] : memref<33280xf32, #tpu.memory_space<vmem>> -> memref<2048xf32, #tpu.memory_space<vmem>>
        %dma_wait3A_334 = arith.constant 0 : i32
        %dma_wait3A_335 = tpu.memref_slice %arg3[%dma_wait3A_331, %select_n3A, %add3A_330, %dma_wait3A_334] : memref<1x16x2048x2048xf32, #tpu.memory_space<hbm>> -> memref<1x1x1x2048xf32, #tpu.memory_space<hbm>>
        %dma_wait3A_336 = tpu.memref_squeeze %dma_wait3A_335 : memref<1x1x1x2048xf32, #tpu.memory_space<hbm>> -> memref<2048xf32, #tpu.memory_space<hbm>>
        %dma_wait3A_337 = arith.constant 0 : i32
        %dma_wait3A_338 = tpu.memref_slice %arg3[%dma_wait3A_331, %select_n3A, %add3A_330, %dma_wait3A_337] : memref<1x16x2048x2048xf32, #tpu.memory_space<hbm>> -> memref<1x1x1x2048xf32, #tpu.memory_space<hbm>>
        %dma_wait3A_339 = tpu.memref_squeeze %dma_wait3A_338 : memref<1x1x1x2048xf32, #tpu.memory_space<hbm>> -> memref<2048xf32, #tpu.memory_space<hbm>>
        %dma_wait3A_340 = arith.constant 0 : i32
        %dma_wait3A_341 = tpu.memref_slice %arg5[%dma_wait3A_340] : memref<33280xf32, #tpu.memory_space<vmem>> -> memref<2048xf32, #tpu.memory_space<vmem>>
        tpu.wait_dma2 semaphore(%arg6 : memref<!tpu.dma_semaphore, #tpu.memory_space<semaphore_mem>>) src(%dma_wait3A_341 : memref<2048xf32, #tpu.memory_space<vmem>>) dst(%dma_wait3A_339 : memref<2048xf32, #tpu.memory_space<hbm>>)
        %add3A_342 = arith.constant 4 : i32
        %add3A_343 = arith.addi %add3A_161, %add3A_342 : i32
        %dma_wait3A_344 = arith.constant 0 : i32
        %dma_wait3A_345 = arith.constant 0 : i32
        %dma_wait3A_346 = tpu.memref_slice %arg5[%dma_wait3A_345] : memref<33280xf32, #tpu.memory_space<vmem>> -> memref<2048xf32, #tpu.memory_space<vmem>>
        %dma_wait3A_347 = arith.constant 0 : i32
        %dma_wait3A_348 = tpu.memref_slice %arg3[%dma_wait3A_344, %select_n3A, %add3A_343, %dma_wait3A_347] : memref<1x16x2048x2048xf32, #tpu.memory_space<hbm>> -> memref<1x1x1x2048xf32, #tpu.memory_space<hbm>>
        %dma_wait3A_349 = tpu.memref_squeeze %dma_wait3A_348 : memref<1x1x1x2048xf32, #tpu.memory_space<hbm>> -> memref<2048xf32, #tpu.memory_space<hbm>>
        %dma_wait3A_350 = arith.constant 0 : i32
        %dma_wait3A_351 = tpu.memref_slice %arg3[%dma_wait3A_344, %select_n3A, %add3A_343, %dma_wait3A_350] : memref<1x16x2048x2048xf32, #tpu.memory_space<hbm>> -> memref<1x1x1x2048xf32, #tpu.memory_space<hbm>>
        %dma_wait3A_352 = tpu.memref_squeeze %dma_wait3A_351 : memref<1x1x1x2048xf32, #tpu.memory_space<hbm>> -> memref<2048xf32, #tpu.memory_space<hbm>>
        %dma_wait3A_353 = arith.constant 0 : i32
        %dma_wait3A_354 = tpu.memref_slice %arg5[%dma_wait3A_353] : memref<33280xf32, #tpu.memory_space<vmem>> -> memref<2048xf32, #tpu.memory_space<vmem>>
        tpu.wait_dma2 semaphore(%arg6 : memref<!tpu.dma_semaphore, #tpu.memory_space<semaphore_mem>>) src(%dma_wait3A_354 : memref<2048xf32, #tpu.memory_space<vmem>>) dst(%dma_wait3A_352 : memref<2048xf32, #tpu.memory_space<hbm>>)
        %add3A_355 = arith.constant 5 : i32
        %add3A_356 = arith.addi %add3A_161, %add3A_355 : i32
        %dma_wait3A_357 = arith.constant 0 : i32
        %dma_wait3A_358 = arith.constant 0 : i32
        %dma_wait3A_359 = tpu.memref_slice %arg5[%dma_wait3A_358] : memref<33280xf32, #tpu.memory_space<vmem>> -> memref<2048xf32, #tpu.memory_space<vmem>>
        %dma_wait3A_360 = arith.constant 0 : i32
        %dma_wait3A_361 = tpu.memref_slice %arg3[%dma_wait3A_357, %select_n3A, %add3A_356, %dma_wait3A_360] : memref<1x16x2048x2048xf32, #tpu.memory_space<hbm>> -> memref<1x1x1x2048xf32, #tpu.memory_space<hbm>>
        %dma_wait3A_362 = tpu.memref_squeeze %dma_wait3A_361 : memref<1x1x1x2048xf32, #tpu.memory_space<hbm>> -> memref<2048xf32, #tpu.memory_space<hbm>>
        %dma_wait3A_363 = arith.constant 0 : i32
        %dma_wait3A_364 = tpu.memref_slice %arg3[%dma_wait3A_357, %select_n3A, %add3A_356, %dma_wait3A_363] : memref<1x16x2048x2048xf32, #tpu.memory_space<hbm>> -> memref<1x1x1x2048xf32, #tpu.memory_space<hbm>>
        %dma_wait3A_365 = tpu.memref_squeeze %dma_wait3A_364 : memref<1x1x1x2048xf32, #tpu.memory_space<hbm>> -> memref<2048xf32, #tpu.memory_space<hbm>>
        %dma_wait3A_366 = arith.constant 0 : i32
        %dma_wait3A_367 = tpu.memref_slice %arg5[%dma_wait3A_366] : memref<33280xf32, #tpu.memory_space<vmem>> -> memref<2048xf32, #tpu.memory_space<vmem>>
        tpu.wait_dma2 semaphore(%arg6 : memref<!tpu.dma_semaphore, #tpu.memory_space<semaphore_mem>>) src(%dma_wait3A_367 : memref<2048xf32, #tpu.memory_space<vmem>>) dst(%dma_wait3A_365 : memref<2048xf32, #tpu.memory_space<hbm>>)
        %add3A_368 = arith.constant 6 : i32
        %add3A_369 = arith.addi %add3A_161, %add3A_368 : i32
        %dma_wait3A_370 = arith.constant 0 : i32
        %dma_wait3A_371 = arith.constant 0 : i32
        %dma_wait3A_372 = tpu.memref_slice %arg5[%dma_wait3A_371] : memref<33280xf32, #tpu.memory_space<vmem>> -> memref<2048xf32, #tpu.memory_space<vmem>>
        %dma_wait3A_373 = arith.constant 0 : i32
        %dma_wait3A_374 = tpu.memref_slice %arg3[%dma_wait3A_370, %select_n3A, %add3A_369, %dma_wait3A_373] : memref<1x16x2048x2048xf32, #tpu.memory_space<hbm>> -> memref<1x1x1x2048xf32, #tpu.memory_space<hbm>>
        %dma_wait3A_375 = tpu.memref_squeeze %dma_wait3A_374 : memref<1x1x1x2048xf32, #tpu.memory_space<hbm>> -> memref<2048xf32, #tpu.memory_space<hbm>>
        %dma_wait3A_376 = arith.constant 0 : i32
        %dma_wait3A_377 = tpu.memref_slice %arg3[%dma_wait3A_370, %select_n3A, %add3A_369, %dma_wait3A_376] : memref<1x16x2048x2048xf32, #tpu.memory_space<hbm>> -> memref<1x1x1x2048xf32, #tpu.memory_space<hbm>>
        %dma_wait3A_378 = tpu.memref_squeeze %dma_wait3A_377 : memref<1x1x1x2048xf32, #tpu.memory_space<hbm>> -> memref<2048xf32, #tpu.memory_space<hbm>>
        %dma_wait3A_379 = arith.constant 0 : i32
        %dma_wait3A_380 = tpu.memref_slice %arg5[%dma_wait3A_379] : memref<33280xf32, #tpu.memory_space<vmem>> -> memref<2048xf32, #tpu.memory_space<vmem>>
        tpu.wait_dma2 semaphore(%arg6 : memref<!tpu.dma_semaphore, #tpu.memory_space<semaphore_mem>>) src(%dma_wait3A_380 : memref<2048xf32, #tpu.memory_space<vmem>>) dst(%dma_wait3A_378 : memref<2048xf32, #tpu.memory_space<hbm>>)
        %add3A_381 = arith.constant 7 : i32
        %add3A_382 = arith.addi %add3A_161, %add3A_381 : i32
        %dma_wait3A_383 = arith.constant 0 : i32
        %dma_wait3A_384 = arith.constant 0 : i32
        %dma_wait3A_385 = tpu.memref_slice %arg5[%dma_wait3A_384] : memref<33280xf32, #tpu.memory_space<vmem>> -> memref<2048xf32, #tpu.memory_space<vmem>>
        %dma_wait3A_386 = arith.constant 0 : i32
        %dma_wait3A_387 = tpu.memref_slice %arg3[%dma_wait3A_383, %select_n3A, %add3A_382, %dma_wait3A_386] : memref<1x16x2048x2048xf32, #tpu.memory_space<hbm>> -> memref<1x1x1x2048xf32, #tpu.memory_space<hbm>>
        %dma_wait3A_388 = tpu.memref_squeeze %dma_wait3A_387 : memref<1x1x1x2048xf32, #tpu.memory_space<hbm>> -> memref<2048xf32, #tpu.memory_space<hbm>>
        %dma_wait3A_389 = arith.constant 0 : i32
        %dma_wait3A_390 = tpu.memref_slice %arg3[%dma_wait3A_383, %select_n3A, %add3A_382, %dma_wait3A_389] : memref<1x16x2048x2048xf32, #tpu.memory_space<hbm>> -> memref<1x1x1x2048xf32, #tpu.memory_space<hbm>>
        %dma_wait3A_391 = tpu.memref_squeeze %dma_wait3A_390 : memref<1x1x1x2048xf32, #tpu.memory_space<hbm>> -> memref<2048xf32, #tpu.memory_space<hbm>>
        %dma_wait3A_392 = arith.constant 0 : i32
        %dma_wait3A_393 = tpu.memref_slice %arg5[%dma_wait3A_392] : memref<33280xf32, #tpu.memory_space<vmem>> -> memref<2048xf32, #tpu.memory_space<vmem>>
        tpu.wait_dma2 semaphore(%arg6 : memref<!tpu.dma_semaphore, #tpu.memory_space<semaphore_mem>>) src(%dma_wait3A_393 : memref<2048xf32, #tpu.memory_space<vmem>>) dst(%dma_wait3A_391 : memref<2048xf32, #tpu.memory_space<hbm>>)
      } else {
      }
    }
    %scan3A_54 = arith.constant 128 : i32
    %add3A_55 = arith.constant 0 : i32
    %add3A_56 = arith.addi %mul3A_32, %add3A_55 : i32
    %dma_wait3A = arith.constant 0 : i32
    %dma_wait3A_57 = arith.constant 0 : i32
    %dma_wait3A_58 = tpu.memref_slice %arg5[%dma_wait3A_57] : memref<33280xf32, #tpu.memory_space<vmem>> -> memref<2048xf32, #tpu.memory_space<vmem>>
    %dma_wait3A_59 = arith.constant 0 : i32
    %dma_wait3A_60 = tpu.memref_slice %arg3[%dma_wait3A, %select_n3A, %add3A_56, %dma_wait3A_59] : memref<1x16x2048x2048xf32, #tpu.memory_space<hbm>> -> memref<1x1x1x2048xf32, #tpu.memory_space<hbm>>
    %dma_wait3A_61 = tpu.memref_squeeze %dma_wait3A_60 : memref<1x1x1x2048xf32, #tpu.memory_space<hbm>> -> memref<2048xf32, #tpu.memory_space<hbm>>
    %dma_wait3A_62 = arith.constant 0 : i32
    %dma_wait3A_63 = tpu.memref_slice %arg3[%dma_wait3A, %select_n3A, %add3A_56, %dma_wait3A_62] : memref<1x16x2048x2048xf32, #tpu.memory_space<hbm>> -> memref<1x1x1x2048xf32, #tpu.memory_space<hbm>>
    %dma_wait3A_64 = tpu.memref_squeeze %dma_wait3A_63 : memref<1x1x1x2048xf32, #tpu.memory_space<hbm>> -> memref<2048xf32, #tpu.memory_space<hbm>>
    %dma_wait3A_65 = arith.constant 0 : i32
    %dma_wait3A_66 = tpu.memref_slice %arg5[%dma_wait3A_65] : memref<33280xf32, #tpu.memory_space<vmem>> -> memref<2048xf32, #tpu.memory_space<vmem>>
    tpu.wait_dma2 semaphore(%arg6 : memref<!tpu.dma_semaphore, #tpu.memory_space<semaphore_mem>>) src(%dma_wait3A_66 : memref<2048xf32, #tpu.memory_space<vmem>>) dst(%dma_wait3A_64 : memref<2048xf32, #tpu.memory_space<hbm>>)
    %add3A_67 = arith.constant 1 : i32
    %add3A_68 = arith.addi %mul3A_32, %add3A_67 : i32
    %dma_wait3A_69 = arith.constant 0 : i32
    %dma_wait3A_70 = arith.constant 0 : i32
    %dma_wait3A_71 = tpu.memref_slice %arg5[%dma_wait3A_70] : memref<33280xf32, #tpu.memory_space<vmem>> -> memref<2048xf32, #tpu.memory_space<vmem>>
    %dma_wait3A_72 = arith.constant 0 : i32
    %dma_wait3A_73 = tpu.memref_slice %arg3[%dma_wait3A_69, %select_n3A, %add3A_68, %dma_wait3A_72] : memref<1x16x2048x2048xf32, #tpu.memory_space<hbm>> -> memref<1x1x1x2048xf32, #tpu.memory_space<hbm>>
    %dma_wait3A_74 = tpu.memref_squeeze %dma_wait3A_73 : memref<1x1x1x2048xf32, #tpu.memory_space<hbm>> -> memref<2048xf32, #tpu.memory_space<hbm>>
    %dma_wait3A_75 = arith.constant 0 : i32
    %dma_wait3A_76 = tpu.memref_slice %arg3[%dma_wait3A_69, %select_n3A, %add3A_68, %dma_wait3A_75] : memref<1x16x2048x2048xf32, #tpu.memory_space<hbm>> -> memref<1x1x1x2048xf32, #tpu.memory_space<hbm>>
    %dma_wait3A_77 = tpu.memref_squeeze %dma_wait3A_76 : memref<1x1x1x2048xf32, #tpu.memory_space<hbm>> -> memref<2048xf32, #tpu.memory_space<hbm>>
    %dma_wait3A_78 = arith.constant 0 : i32
    %dma_wait3A_79 = tpu.memref_slice %arg5[%dma_wait3A_78] : memref<33280xf32, #tpu.memory_space<vmem>> -> memref<2048xf32, #tpu.memory_space<vmem>>
    tpu.wait_dma2 semaphore(%arg6 : memref<!tpu.dma_semaphore, #tpu.memory_space<semaphore_mem>>) src(%dma_wait3A_79 : memref<2048xf32, #tpu.memory_space<vmem>>) dst(%dma_wait3A_77 : memref<2048xf32, #tpu.memory_space<hbm>>)
    %add3A_80 = arith.constant 2 : i32
    %add3A_81 = arith.addi %mul3A_32, %add3A_80 : i32
    %dma_wait3A_82 = arith.constant 0 : i32
    %dma_wait3A_83 = arith.constant 0 : i32
    %dma_wait3A_84 = tpu.memref_slice %arg5[%dma_wait3A_83] : memref<33280xf32, #tpu.memory_space<vmem>> -> memref<2048xf32, #tpu.memory_space<vmem>>
    %dma_wait3A_85 = arith.constant 0 : i32
    %dma_wait3A_86 = tpu.memref_slice %arg3[%dma_wait3A_82, %select_n3A, %add3A_81, %dma_wait3A_85] : memref<1x16x2048x2048xf32, #tpu.memory_space<hbm>> -> memref<1x1x1x2048xf32, #tpu.memory_space<hbm>>
    %dma_wait3A_87 = tpu.memref_squeeze %dma_wait3A_86 : memref<1x1x1x2048xf32, #tpu.memory_space<hbm>> -> memref<2048xf32, #tpu.memory_space<hbm>>
    %dma_wait3A_88 = arith.constant 0 : i32
    %dma_wait3A_89 = tpu.memref_slice %arg3[%dma_wait3A_82, %select_n3A, %add3A_81, %dma_wait3A_88] : memref<1x16x2048x2048xf32, #tpu.memory_space<hbm>> -> memref<1x1x1x2048xf32, #tpu.memory_space<hbm>>
    %dma_wait3A_90 = tpu.memref_squeeze %dma_wait3A_89 : memref<1x1x1x2048xf32, #tpu.memory_space<hbm>> -> memref<2048xf32, #tpu.memory_space<hbm>>
    %dma_wait3A_91 = arith.constant 0 : i32
    %dma_wait3A_92 = tpu.memref_slice %arg5[%dma_wait3A_91] : memref<33280xf32, #tpu.memory_space<vmem>> -> memref<2048xf32, #tpu.memory_space<vmem>>
    tpu.wait_dma2 semaphore(%arg6 : memref<!tpu.dma_semaphore, #tpu.memory_space<semaphore_mem>>) src(%dma_wait3A_92 : memref<2048xf32, #tpu.memory_space<vmem>>) dst(%dma_wait3A_90 : memref<2048xf32, #tpu.memory_space<hbm>>)
    %add3A_93 = arith.constant 3 : i32
    %add3A_94 = arith.addi %mul3A_32, %add3A_93 : i32
    %dma_wait3A_95 = arith.constant 0 : i32
    %dma_wait3A_96 = arith.constant 0 : i32
    %dma_wait3A_97 = tpu.memref_slice %arg5[%dma_wait3A_96] : memref<33280xf32, #tpu.memory_space<vmem>> -> memref<2048xf32, #tpu.memory_space<vmem>>
    %dma_wait3A_98 = arith.constant 0 : i32
    %dma_wait3A_99 = tpu.memref_slice %arg3[%dma_wait3A_95, %select_n3A, %add3A_94, %dma_wait3A_98] : memref<1x16x2048x2048xf32, #tpu.memory_space<hbm>> -> memref<1x1x1x2048xf32, #tpu.memory_space<hbm>>
    %dma_wait3A_100 = tpu.memref_squeeze %dma_wait3A_99 : memref<1x1x1x2048xf32, #tpu.memory_space<hbm>> -> memref<2048xf32, #tpu.memory_space<hbm>>
    %dma_wait3A_101 = arith.constant 0 : i32
    %dma_wait3A_102 = tpu.memref_slice %arg3[%dma_wait3A_95, %select_n3A, %add3A_94, %dma_wait3A_101] : memref<1x16x2048x2048xf32, #tpu.memory_space<hbm>> -> memref<1x1x1x2048xf32, #tpu.memory_space<hbm>>
    %dma_wait3A_103 = tpu.memref_squeeze %dma_wait3A_102 : memref<1x1x1x2048xf32, #tpu.memory_space<hbm>> -> memref<2048xf32, #tpu.memory_space<hbm>>
    %dma_wait3A_104 = arith.constant 0 : i32
    %dma_wait3A_105 = tpu.memref_slice %arg5[%dma_wait3A_104] : memref<33280xf32, #tpu.memory_space<vmem>> -> memref<2048xf32, #tpu.memory_space<vmem>>
    tpu.wait_dma2 semaphore(%arg6 : memref<!tpu.dma_semaphore, #tpu.memory_space<semaphore_mem>>) src(%dma_wait3A_105 : memref<2048xf32, #tpu.memory_space<vmem>>) dst(%dma_wait3A_103 : memref<2048xf32, #tpu.memory_space<hbm>>)
    %add3A_106 = arith.constant 4 : i32
    %add3A_107 = arith.addi %mul3A_32, %add3A_106 : i32
    %dma_wait3A_108 = arith.constant 0 : i32
    %dma_wait3A_109 = arith.constant 0 : i32
    %dma_wait3A_110 = tpu.memref_slice %arg5[%dma_wait3A_109] : memref<33280xf32, #tpu.memory_space<vmem>> -> memref<2048xf32, #tpu.memory_space<vmem>>
    %dma_wait3A_111 = arith.constant 0 : i32
    %dma_wait3A_112 = tpu.memref_slice %arg3[%dma_wait3A_108, %select_n3A, %add3A_107, %dma_wait3A_111] : memref<1x16x2048x2048xf32, #tpu.memory_space<hbm>> -> memref<1x1x1x2048xf32, #tpu.memory_space<hbm>>
    %dma_wait3A_113 = tpu.memref_squeeze %dma_wait3A_112 : memref<1x1x1x2048xf32, #tpu.memory_space<hbm>> -> memref<2048xf32, #tpu.memory_space<hbm>>
    %dma_wait3A_114 = arith.constant 0 : i32
    %dma_wait3A_115 = tpu.memref_slice %arg3[%dma_wait3A_108, %select_n3A, %add3A_107, %dma_wait3A_114] : memref<1x16x2048x2048xf32, #tpu.memory_space<hbm>> -> memref<1x1x1x2048xf32, #tpu.memory_space<hbm>>
    %dma_wait3A_116 = tpu.memref_squeeze %dma_wait3A_115 : memref<1x1x1x2048xf32, #tpu.memory_space<hbm>> -> memref<2048xf32, #tpu.memory_space<hbm>>
    %dma_wait3A_117 = arith.constant 0 : i32
    %dma_wait3A_118 = tpu.memref_slice %arg5[%dma_wait3A_117] : memref<33280xf32, #tpu.memory_space<vmem>> -> memref<2048xf32, #tpu.memory_space<vmem>>
    tpu.wait_dma2 semaphore(%arg6 : memref<!tpu.dma_semaphore, #tpu.memory_space<semaphore_mem>>) src(%dma_wait3A_118 : memref<2048xf32, #tpu.memory_space<vmem>>) dst(%dma_wait3A_116 : memref<2048xf32, #tpu.memory_space<hbm>>)
    %add3A_119 = arith.constant 5 : i32
    %add3A_120 = arith.addi %mul3A_32, %add3A_119 : i32
    %dma_wait3A_121 = arith.constant 0 : i32
    %dma_wait3A_122 = arith.constant 0 : i32
    %dma_wait3A_123 = tpu.memref_slice %arg5[%dma_wait3A_122] : memref<33280xf32, #tpu.memory_space<vmem>> -> memref<2048xf32, #tpu.memory_space<vmem>>
    %dma_wait3A_124 = arith.constant 0 : i32
    %dma_wait3A_125 = tpu.memref_slice %arg3[%dma_wait3A_121, %select_n3A, %add3A_120, %dma_wait3A_124] : memref<1x16x2048x2048xf32, #tpu.memory_space<hbm>> -> memref<1x1x1x2048xf32, #tpu.memory_space<hbm>>
    %dma_wait3A_126 = tpu.memref_squeeze %dma_wait3A_125 : memref<1x1x1x2048xf32, #tpu.memory_space<hbm>> -> memref<2048xf32, #tpu.memory_space<hbm>>
    %dma_wait3A_127 = arith.constant 0 : i32
    %dma_wait3A_128 = tpu.memref_slice %arg3[%dma_wait3A_121, %select_n3A, %add3A_120, %dma_wait3A_127] : memref<1x16x2048x2048xf32, #tpu.memory_space<hbm>> -> memref<1x1x1x2048xf32, #tpu.memory_space<hbm>>
    %dma_wait3A_129 = tpu.memref_squeeze %dma_wait3A_128 : memref<1x1x1x2048xf32, #tpu.memory_space<hbm>> -> memref<2048xf32, #tpu.memory_space<hbm>>
    %dma_wait3A_130 = arith.constant 0 : i32
    %dma_wait3A_131 = tpu.memref_slice %arg5[%dma_wait3A_130] : memref<33280xf32, #tpu.memory_space<vmem>> -> memref<2048xf32, #tpu.memory_space<vmem>>
    tpu.wait_dma2 semaphore(%arg6 : memref<!tpu.dma_semaphore, #tpu.memory_space<semaphore_mem>>) src(%dma_wait3A_131 : memref<2048xf32, #tpu.memory_space<vmem>>) dst(%dma_wait3A_129 : memref<2048xf32, #tpu.memory_space<hbm>>)
    %add3A_132 = arith.constant 6 : i32
    %add3A_133 = arith.addi %mul3A_32, %add3A_132 : i32
    %dma_wait3A_134 = arith.constant 0 : i32
    %dma_wait3A_135 = arith.constant 0 : i32
    %dma_wait3A_136 = tpu.memref_slice %arg5[%dma_wait3A_135] : memref<33280xf32, #tpu.memory_space<vmem>> -> memref<2048xf32, #tpu.memory_space<vmem>>
    %dma_wait3A_137 = arith.constant 0 : i32
    %dma_wait3A_138 = tpu.memref_slice %arg3[%dma_wait3A_134, %select_n3A, %add3A_133, %dma_wait3A_137] : memref<1x16x2048x2048xf32, #tpu.memory_space<hbm>> -> memref<1x1x1x2048xf32, #tpu.memory_space<hbm>>
    %dma_wait3A_139 = tpu.memref_squeeze %dma_wait3A_138 : memref<1x1x1x2048xf32, #tpu.memory_space<hbm>> -> memref<2048xf32, #tpu.memory_space<hbm>>
    %dma_wait3A_140 = arith.constant 0 : i32
    %dma_wait3A_141 = tpu.memref_slice %arg3[%dma_wait3A_134, %select_n3A, %add3A_133, %dma_wait3A_140] : memref<1x16x2048x2048xf32, #tpu.memory_space<hbm>> -> memref<1x1x1x2048xf32, #tpu.memory_space<hbm>>
    %dma_wait3A_142 = tpu.memref_squeeze %dma_wait3A_141 : memref<1x1x1x2048xf32, #tpu.memory_space<hbm>> -> memref<2048xf32, #tpu.memory_space<hbm>>
    %dma_wait3A_143 = arith.constant 0 : i32
    %dma_wait3A_144 = tpu.memref_slice %arg5[%dma_wait3A_143] : memref<33280xf32, #tpu.memory_space<vmem>> -> memref<2048xf32, #tpu.memory_space<vmem>>
    tpu.wait_dma2 semaphore(%arg6 : memref<!tpu.dma_semaphore, #tpu.memory_space<semaphore_mem>>) src(%dma_wait3A_144 : memref<2048xf32, #tpu.memory_space<vmem>>) dst(%dma_wait3A_142 : memref<2048xf32, #tpu.memory_space<hbm>>)
    %add3A_145 = arith.constant 7 : i32
    %add3A_146 = arith.addi %mul3A_32, %add3A_145 : i32
    %dma_wait3A_147 = arith.constant 0 : i32
    %dma_wait3A_148 = arith.constant 0 : i32
    %dma_wait3A_149 = tpu.memref_slice %arg5[%dma_wait3A_148] : memref<33280xf32, #tpu.memory_space<vmem>> -> memref<2048xf32, #tpu.memory_space<vmem>>
    %dma_wait3A_150 = arith.constant 0 : i32
    %dma_wait3A_151 = tpu.memref_slice %arg3[%dma_wait3A_147, %select_n3A, %add3A_146, %dma_wait3A_150] : memref<1x16x2048x2048xf32, #tpu.memory_space<hbm>> -> memref<1x1x1x2048xf32, #tpu.memory_space<hbm>>
    %dma_wait3A_152 = tpu.memref_squeeze %dma_wait3A_151 : memref<1x1x1x2048xf32, #tpu.memory_space<hbm>> -> memref<2048xf32, #tpu.memory_space<hbm>>
    %dma_wait3A_153 = arith.constant 0 : i32
    %dma_wait3A_154 = tpu.memref_slice %arg3[%dma_wait3A_147, %select_n3A, %add3A_146, %dma_wait3A_153] : memref<1x16x2048x2048xf32, #tpu.memory_space<hbm>> -> memref<1x1x1x2048xf32, #tpu.memory_space<hbm>>
    %dma_wait3A_155 = tpu.memref_squeeze %dma_wait3A_154 : memref<1x1x1x2048xf32, #tpu.memory_space<hbm>> -> memref<2048xf32, #tpu.memory_space<hbm>>
    %dma_wait3A_156 = arith.constant 0 : i32
    %dma_wait3A_157 = tpu.memref_slice %arg5[%dma_wait3A_156] : memref<33280xf32, #tpu.memory_space<vmem>> -> memref<2048xf32, #tpu.memory_space<vmem>>
    tpu.wait_dma2 semaphore(%arg6 : memref<!tpu.dma_semaphore, #tpu.memory_space<semaphore_mem>>) src(%dma_wait3A_157 : memref<2048xf32, #tpu.memory_space<vmem>>) dst(%dma_wait3A_155 : memref<2048xf32, #tpu.memory_space<hbm>>)
    return
  }
}

</mosaic_0001>

<sc_bundles>
// kernel: kernel.3.cloned.1.call-start
scs
__scs_entry_jumppad:
0x0: {  	(pc) =	sbr.rel $0x88, $3  }
0x1: {  	(tag) =	ssettag $0x0;
	lr =	simm.s32 $0x1  }
0x2: {  	[smem:$0x3FA0] =	sst lr;
	_ =	strace $0xD0000000  }
0x3: {  	_ = 	snop  }
0x4: {  	_ = 	snop  }
0x5: {  	_ = 	snop  }
0x6: {  	_ = 	snop  }
0x7: {  	_ = 	snop  }
__scs_overlays_trampoline_lowered:
0x8: {  	[smem:$0x3FAF] =	sst s0  }
0x9: {  	[smem:$0x3FB0] =	sst s1  }
0xa: {  	[smem:$0x3FB1] =	sst s2  }
0xb: {  	[smem:$0x3FB2] =	sst s3  }
0xc: {  	[smem:$0x3FB3] =	sst s4  }
0xd: {  	[smem:$0x3FB4] =	sst s5  }
0xe: {  	[smem:$0x3FB5] =	sst s6  }
0xf: {  	[smem:$0x3FB6] =	sst s7  }
0x10: {  	[smem:$0x3FB7] =	sst s8  }
0x11: {  	[smem:$0x3FB8] =	sst s9;
	s0 =	simm.s32 @!p0 $0x0  }
0x12: {  	s1 =	sld [smem:$0x3F9E];
	s0 =	simm.s32 @p0 $0x1  }
0x13: {  	[smem:$0x3FB9] =	sst s0;
	s0 =	simm.s32 @!p1 $0x0  }
0x14: {  	s2 =	sld [smem:$0x3F9D];
	s0 =	simm.s32 @p1 $0x1  }
0x15: {  	[smem:$0x3FBA] =	sst s0;
	s0 =	simm.s32 @!p2 $0x0  }
0x16: {  	s3 =	sld [smem:$0x3FDB];
	s0 =	simm.s32 @p2 $0x1  }
0x17: {  	s4 =	simm.s32 $0x1BF5;
	[smem:$0x3FBC] =	sst s0  }
0x18: {  	s0 =	sld [smem:$0x3F9F];
	_ =	swait.ge [sflag:s4], $0x0  }
0x19: {  	s7 =	sld [smem:$0x3FA0]  }
0x1a: {  	s8 =	sadd.s32 $0xFFFFE003, lr  }
0x1b: {  	s9 =	sadd.s32 $0xFFFFFEF7, lr;
	s5 =	simm.s32 $0xFFFFFFFF;
	p2 =	slt.u32 s8, $0xFFFFF086  }
0x1c: {  	p1 =	slt.u32 s9, $0xF7A;
	s5 =	simm.s32 @!p2 $0x0  }
0x1d: {  	s5 =	simm.s32 @p1 $0x1;
	p0 =	seq.s32 s7, s2  }
0x1e: {  	s7 =	smul.u32 @!p0 $0xF7A, s2;
	p2 =	seq.s32 @!p0 s5, $0x0  }
0x1f: {  	s9 =	smul.u32 $0xF7A, s1;
	s8 =	simm.s32 @!p0 $0x1BF5;
	p2 =	por !p2, p0  }
0x20: {  	[sflag:s8] =	ssyncset.s32 @!p0 $0xFFFFF086;
	s6 =	sadd.s32 @!p0 s3, s7;
	s7 =	simm.s32 @!p0 $0x108  }
0x21: {  	s3 =	sadd.s32 s3, s9;
	s6 =	sadd.s32 @!p0 $0x88, s6;
	s7 =	simm.s32 @p2 $0x1082  }
0x22: {  	[simem:s7], [sflag:s8] =	dma.local @!p0 [hbm:s6], $0xF7A  }
0x23: {  	s9 =	sor.u32 $0xD0000000, s2;
	s6 =	simm.s32 $0x108;
	_ =	swait.ge @!p0 [sflag:s8], $0x0  }
0x24: {  	s3 =	sadd.s32 $0x88, s3;
	s6 =	simm.s32 @!p1 $0x1082;
	[sflag:s4] =	ssyncset.s32 $0xFFFFF086  }
0x25: {  	[simem:s6], [sflag:s4] =	dma.local [hbm:s3], $0xF7A  }
0x26: {  	[smem:$0x3FA0] =	sst s1;
	(tag) =	ssettag s2;
	_ =	strace s9  }
0x27: {  	s1 =	sld [smem:$0x3FB0]  }
0x28: {  	s2 =	sld [smem:$0x3FB1]  }
0x29: {  	s4 =	sld [smem:$0x3FB3]  }
0x2a: {  	p0 =	seq.s32 s5, $0x0;
	s5 =	sld [smem:$0x3FB4]  }
0x2b: {  	s6 =	sld [smem:$0x3FB5]  }
0x2c: {  	s7 =	sld [smem:$0x3FB6]  }
0x2d: {  	s3 =	simm.s32 $0x108;
	s8 =	sld [smem:$0x3FB7]  }
0x2e: {  	s3 =	simm.s32 @!p0 $0x1082;
	s9 =	sld [smem:$0x3FB8]  }
0x2f: {  	lr =	sadd.s32 s0, s3;
	s0 =	sld [smem:$0x3FAF]  }
0x30: {  	s3 =	sld [smem:$0x3FB2]  }
0x31: {  	[smem:$0x3FBB] =	sst s10  }
0x32: {  	s10 =	sld [smem:$0x3FB9];
	_ =	sdelay $0x3  }
0x33: {  	p0 =	seq.s32 s10, $0x1;
	s10 =	sld [smem:$0x3FBB];
	_ =	sdelay $0x3  }
0x34: {  	[smem:$0x3FBB] =	sst s10  }
0x35: {  	s10 =	sld [smem:$0x3FBA];
	_ =	sdelay $0x3  }
0x36: {  	p1 =	seq.s32 s10, $0x1;
	s10 =	sld [smem:$0x3FBB];
	_ =	sdelay $0x3  }
0x37: {  	[smem:$0x3FBB] =	sst s10  }
0x38: {  	s10 =	sld [smem:$0x3FBC]  }
0x39: {  	_ = 	snop;
	(pc) =	sbr.ind lr, $3  }
0x3a: {  	_ = 	snop  }
0x3b: {  	_ = 	snop  }
0x3c: {  	p2 =	seq.s32 s10, $0x1;
	s10 =	sld [smem:$0x3FBB]  }
0x3d: {  	_ =	shalt  }
0x3e: {  	_ =	shalt  }
0x3f: {  	_ =	shalt  }
0x40: {  	_ =	shalt  }
0x41: {  	_ =	shalt  }
0x42: {  	_ =	shalt  }
0x43: {  	_ =	shalt  }
0x44: {  	_ =	shalt  }
0x45: {  	_ =	shalt  }
0x46: {  	_ =	shalt  }
0x47: {  	_ =	shalt  }
0x48: {  	_ =	shalt  }
0x49: {  	_ =	shalt  }
0x4a: {  	_ =	shalt  }
0x4b: {  	_ =	shalt  }
0x4c: {  	_ =	shalt  }
0x4d: {  	_ =	shalt  }
0x4e: {  	_ =	shalt  }
0x4f: {  	_ =	shalt  }
0x50: {  	_ =	shalt  }
0x51: {  	_ =	shalt  }
0x52: {  	_ =	shalt  }
0x53: {  	_ =	shalt  }
0x54: {  	_ =	shalt  }
0x55: {  	_ =	shalt  }
0x56: {  	_ =	shalt  }
0x57: {  	_ =	shalt  }
0x58: {  	_ =	shalt  }
0x59: {  	_ =	shalt  }
0x5a: {  	_ =	shalt  }
0x5b: {  	_ =	shalt  }
0x5c: {  	_ =	shalt  }
0x5d: {  	_ =	shalt  }
0x5e: {  	_ =	shalt  }
0x5f: {  	_ =	shalt  }
0x60: {  	_ =	shalt  }
0x61: {  	_ =	shalt  }
0x62: {  	_ =	shalt  }
0x63: {  	_ =	shalt  }
0x64: {  	_ =	shalt  }
0x65: {  	_ =	shalt  }
0x66: {  	_ =	shalt  }
0x67: {  	_ =	shalt  }
0x68: {  	_ =	shalt  }
0x69: {  	_ =	shalt  }
0x6a: {  	_ =	shalt  }
0x6b: {  	_ =	shalt  }
0x6c: {  	_ =	shalt  }
0x6d: {  	_ =	shalt  }
0x6e: {  	_ =	shalt  }
0x6f: {  	_ =	shalt  }
0x70: {  	_ =	shalt  }
0x71: {  	_ =	shalt  }
0x72: {  	_ =	shalt  }
0x73: {  	_ =	shalt  }
0x74: {  	_ =	shalt  }
0x75: {  	_ =	shalt  }
0x76: {  	_ =	shalt  }
0x77: {  	_ =	shalt  }
0x78: {  	_ =	shalt  }
0x79: {  	_ =	shalt  }
0x7a: {  	_ =	shalt  }
0x7b: {  	_ =	shalt  }
0x7c: {  	_ =	shalt  }
0x7d: {  	_ =	shalt  }
0x7e: {  	_ =	shalt  }
0x7f: {  	_ =	shalt  }
0x80: {  	_ =	shalt  }
0x81: {  	_ =	shalt  }
0x82: {  	_ =	shalt  }
0x83: {  	_ =	shalt  }
0x84: {  	_ =	shalt  }
0x85: {  	_ =	shalt  }
0x86: {  	_ =	shalt  }
0x87: {  	_ =	shalt  }
.Lfunc_end0:
.L_simem_size_0:
called_computation_lowered:
.L_overlay_start_0:
0x88: {  	s2 =	sld [smem:$0x3FD9]  }
0x89: {  	s3 =	sld [smem:$0x3FFE];
	_ =	sdelay $0x1  }
0x8a: {  	s1 =	srdreg.scid  }
0x8b: {  	s0 =	sand.u32 $0x1, s1  }
0x8c: {  	s17 =	sshll.u32 s0, $0xA;
	s2 =	sadd.s32 s3, s2  }
0x8d: {  	s2 =	sadd.s32 s2, s17  }
0x8e: {  	[smem:$0x3FC7] =	sst s2  }
0x8f: {  	_ = 	snop  }
0x90: {  	s2 =	sld [smem:$0x3FD0];
	(tm) =	ssettm $0x1  }
0x91: {  	s18 =	sld [smem:$0x3FFB];
	_ =	sdelay $0x3  }
0x92: {  	_ =	strace s18  }
0x93: {  	s3 =	sld [smem:$0x3FFC];
	_ =	sdelay $0x3  }
0x94: {  	_ =	strace s3  }
0x95: {  	s3 =	sld [smem:$0x3FFD];
	_ =	sdelay $0x3  }
0x96: {  	_ =	strace s3  }
0x97: {  	_ =	strace $0x8FFFFFFF  }
0x98: {  	s19 =	sld [smem:$0x3FDB];
	_ =	sdelay $0x1  }
0x99: {  	s4 =	simm.s32 $_scs_section_size  }
0x9a: {  	s5 =	simm.s32 $_size__tile_overlayer_lowered;
	s6 =	simm.s32 $_tile_overlayer_lowered  }
0x9b: {  	s22 =	simm.s32 $0x1BFF;
	s21 =	sshll.u32 s6, $0x1;
	s3 =	sadd.s32 s4, s19  }
0x9c: {  	s7 =	simm.s32 $0x0;
	s20 =	sshll.u32 s5, $0x1;
	s5 =	sadd.s32 s21, s3  }
0x9d: {  	[timem:s7], [sflag:s22] =	dma.local [hbm:s5], s20  }
0x9e: {  	_ =	swait.ge [sflag:s22], s20  }
0x9f: {  	s4 =	ssub.s32 $0x0, s20;
	[sflag:s22] =	ssyncset.done $0x0  }
0xa0: {  	[sflag:s22] =	ssyncadd.s32 s4;
	_ =	sdelay $0x1  }
0xa1: {  	s23 =	simm.s32 $0x1B8B  }
0xa2: {  	_ =	swait.ge [sflag:s23], $0x1  }
0xa3: {  	[sflag:s23] =	ssyncset.done $0x0  }
0xa4: {  	s25 =	simm.s32 $0x1B8E;
	s24 =	sld [smem:$0x3FFE];
	[sflag:s23] =	ssyncadd.s32 $0xFFFFFFFF  }
0xa5: {  	s26 =	simm.s32 $execute0_lowered;
	[smem:$0x3FD2] =	sst s25  }
0xa6: {  	s5 =	sshll.u32 s26, $0x1;
	_ =	strace $0x80000046;
	[dreg:$0x1] =	wrdreg $0xFFFFFFFF  }
0xa7: {  	s28 =	simm.s32 $_size_execute0_lowered;
	s3 =	sadd.s32 s3, s5;
	[dreg:$0x0] =	wrdreg $0x0  }
0xa8: {  	s5 =	sshll.u32 s28, $0x1;
	[dreg:$0x2] =	wrdreg s3  }
0xa9: {  	[dreg:$0x3] =	wrdreg s5  }
0xaa: {  	[dreg:$0x4] =	wrdreg $0xC0  }
0xab: {  	_ =	task [dreg:s7], $0x5FFFF  }
0xac: {  	[dreg:$0x1] =	wrdreg $0xFFFFFFFF  }
0xad: {  	[dreg:$0x0] =	wrdreg $0x60  }
0xae: {  	[dreg:$0x2] =	wrdreg s2  }
0xaf: {  	[dreg:$0x3] =	wrdreg s24  }
0xb0: {  	[dreg:$0x4] =	wrdreg $0x9  }
0xb1: {  	_ =	task.clear_ibuf [dreg:s7], $0x5FFFF;
	_ =	strace $0x90000046  }
0xb2: {  	s29 =	simm.s32 $0x9;
	_ =	strace $0x80000048  }
0xb3: {  	_ =	swait.ge [sflag:s29], $0x1  }
0xb4: {  	[sflag:s29] =	ssyncadd.s32 $0xFFFFFFFF  }
0xb5: {  	_ =	strace $0x90000048  }
0xb6: {  	_ =	sfence  }
0xb7: {  	s30 =	sld [smem:$0x0];
	_ =	sdelay $0x2  }
0xb8: {  	s31 =	sshll.u32 s1, $0xD;
	s1 =	sshrl.u32 s1, $0x2  }
0xb9: {  	s3 =	sand.u32 $0x4000, s31;
	s1 =	sadd.s32 s1, s30  }
0xba: {  	s0 =	sor.u32 s3, s0;
	s1 =	sshll.u32 s1, $0x11  }
0xbb: {  	s0 =	sor.u32 s1, s0  }
0xbc: {  	s0 =	sadd.s32 $0x8F2B, s0  }
0xbd: {  	[sflag:s0] =	ssyncadd.remote.s32 $0x1  }
0xbe: {  	_ =	sfence.sel $0xFFFF  }
0xbf: {  	[dreg:$0x0] =	wrdreg $0xFFFFFFFF;
	(pc) =	sbr.abs _section_cstart, $3  }
0xc0: {  	[dreg:$0x1] =	wrdreg $0xFFFFFFFF  }
0xc1: {  	_ =	task.clear_ibuf [dreg:s7], $0x2FFFF;
	_ =	strace $0x9FFFFFFF  }
0xc2: {  	(tm) =	ssettm $0x7FFFFFFF  }
0xc3: {  	_ =	shalt  }
tec
execute0_lowered:
.L_overlay_start_1:
0x0: {  	(tag) =	ssettag $0x1  }
0x1: {  	s1 =	rddreg [dreg:$0x0]  }
0x2: {  	s0 =	srdreg.scid;
	s3 =	rddreg [dreg:$0x1]  }
0x3: {  	s7 =	stileid.u32;
	s2 =	simm.s32 $0x0;
	s0 =	sand.u32 $0x1, s0  }
0x4: {  	[smem:$0x7FF] =	sst s2;
	s30 =	sadd.s32 $0x400, s3;
	s3 =	simm.s32 $0x1  }
0x5: {  	s4 =	sor.u32 s0, s7;
	p1 =	seq.s32 s0, $0x1;
	_ =	strace $0x80000047  }
0x6: {  	s5 =	ssub.s32 $0x2, s0;
	s6 =	sxor.u32 $0x1, s0;
	s17 =	sshll.u32 s0, $0x15  }
0x7: {  	s0 =	sshll.u32 s0, $0xC;
	p0 =	seq.s32 s4, $0x0;
	s8 =	sshll.u32 s6, $0x6  }
0x8: {  	s9 =	sshrl.u32 s5, $0x1;
	s13 =	smul.u32 $0x3F0, s6;
	p0 =	por !p0, !p1  }
0x9: {  	s11 =	smul.u32 $0xFC0, s6;
	s0 =	ssub.s32 $0x123E0, s0;
	p0 =	por !p0, !p0  }
0xa: {  	s19 =	sadd.s32 $0xC0, s8;
	s31 =	ssub.s32 s5, s9;
	s3 =	simm.s32 @!p0 $0x0  }
0xb: {  	s8 =	smax.u32 s31, $0x1;
	s7 =	ssub.s32 s7, s3;
	s3 =	smul.u32 $0x3F, s6  }
0xc: {  	s23 =	sadd.s32 $0x70, s13;
	[dreg:$0x4] =	wrdreg s8;
	s10 =	sshll.u32 s7, $0x8  }
0xd: {  	s7 =	sshll.u32 s7, $0x16;
	s9 =	sand.u32 $0x1FFFFF00, s10;
	s10 =	ssub.s32 s19, s3  }
0xe: {  	s7 =	sor.u32 s17, s7;
	s1 =	sadd.s32 s1, s9;
	s12 =	sand.u32 $0x1F8, s10  }
0xf: {  	s9 =	sshrl.u32 s10, $0x3;
	s22 =	sor.u32 $0x3800, s7;
	s17 =	sor.u32 $0x800, s7  }
0x10: {  	[dreg:$0x3] =	wrdreg s1;
	s5 =	sadd.s32 s3, s12;
	s14 =	sshll.u32 s9, $0x9  }
0x11: {  	s6 =	ssub.s32 s6, s12;
	s1 =	sshrl.u32 s11, $0x2;
	s16 =	sshll.u32 s9, $0x7  }
0x12: {  	s12 =	sor.u32 $0x3000, s7;
	s17 =	sshrl.u32 s17, $0x3;
	s20 =	sadd.s32 s14, s11  }
0x13: {  	s8 =	sadd.s32 $0xC0, s6;
	s10 =	sadd.s32 s16, s13;
	s11 =	sshrl.u32 s22, $0x3  }
0x14: {  	s12 =	sshrl.u32 s12, $0x3;
	s13 =	sor.u32 $0x2800, s7;
	s14 =	sor.u32 $0x2000, s7  }
0x15: {  	s16 =	sor.u32 $0x1000, s7;
	s17 =	sadd.s32 s17, s30;
	p0 =	sge.u32 s5, s19  }
0x16: {  	p1 =	slt.u32 s5, s19;
	s22 =	sshrl.u32 s0, $0x2;
	s28 =	sadd.s32 $0x28F0, s1  }
0x17: {  	s29 =	sadd.s32 $0x3930, s1;
	s15 =	sshra.s32 s20, $0x2;
	s18 =	sadd.s32 $0x4100, s20  }
0x18: {  	s21 =	sadd.s32 $0x8200, s20;
	s11 =	sadd.s32 s11, s30;
	s12 =	sadd.s32 s12, s30  }
0x19: {  	s13 =	sshrl.u32 s13, $0x3;
	s14 =	sshrl.u32 s14, $0x3;
	s16 =	sshrl.u32 s16, $0x3  }
0x1a: {  	s24 =	sadd.s32 $0xC300, s20;
	s26 =	sadd.s32 $0x10400, s20;
	s31 =	sadd.s32 $0x14500, s20  }
0x1b: {  	s6 =	sadd.s32 $0x800, s15;
	s9 =	sshra.s32 s21, $0x2;
	s13 =	sadd.s32 s13, s30  }
0x1c: {  	s15 =	sor.u32 $0x1800, s7;
	s14 =	sadd.s32 s14, s30;
	s16 =	sadd.s32 s16, s30  }
0x1d: {  	s7 =	sshrl.u32 s7, $0x3;
	s4 =	sshra.s32 s24, $0x2;
	s21 =	sadd.s32 $0x1C700, s20  }
0x1e: {  	s24 =	sadd.s32 $0x4970, s1;
	[dreg:$0x5] =	wrdreg s6;
	s6 =	sshra.s32 s18, $0x2  }
0x1f: {  	s15 =	sshrl.u32 s15, $0x3;
	s18 =	sadd.s32 s7, s30;
	s25 =	sadd.s32 $0x800, s9  }
0x20: {  	s4 =	sadd.s32 $0x800, s4;
	s7 =	sshra.s32 s31, $0x2;
	s9 =	sadd.s32 $0x18600, s20  }
0x21: {  	[dreg:$0xc] =	wrdreg s24;
	s31 =	sadd.s32 $0x69F0, s1;
	s20 =	simm.s32 $0x0  }
0x22: {  	s15 =	sadd.s32 s15, s30;
	s6 =	sadd.s32 $0x800, s6;
	[dreg:$0x7] =	wrdreg s25  }
0x23: {  	[dreg:$0x8] =	wrdreg s4;
	s30 =	sshra.s32 s26, $0x2;
	s19 =	sshra.s32 s9, $0x2  }
0x24: {  	s25 =	sadd.s32 $0x840, s1;
	s26 =	sadd.s32 $0x18B0, s1;
	[dreg:$0xe] =	wrdreg s31  }
0x25: {  	s9 =	simm.s32 $0x1;
	[dreg:$0x6] =	wrdreg s6;
	s4 =	sadd.s32 $0x800, s30  }
0x26: {  	s30 =	sadd.s32 $0x59B0, s1;
	[dreg:$0x9] =	wrdreg s4;
	s4 =	sadd.s32 $0x800, s7  }
0x27: {  	v0 =	vlaneseq.u32;
	s1 =	sadd.s32 $0x7A30, s1;
	[dreg:$0xa] =	wrdreg s4;
	s4 =	sadd.s32 $0x800, s19  }
0x28: {  	v1 =	vadd.s32 $0xFFFFF801, v0;
	s6 =	sadd.s32 $0x800, s22;
	[dreg:$0xb] =	wrdreg s4;
	s4 =	sshra.s32 s21, $0x2  }
0x29: {  	v2 =	vadd.s32 $0xFFFFF802, v0;
	v3 =	vadd.s32 $0xFFFFF803, v0;
	v4 =	vadd.s32 $0xFFFFF804, v0;
	[dreg:$0xd] =	wrdreg s30;
	s19 =	simm.s32 $0x2;
	s4 =	sadd.s32 $0x800, s4  }
.LBB2_1:
0x2a: {  	s0 =	rddreg [dreg:$0x3]  }
0x2b: {  	s7 =	sadd.s32 $0xFFFFFFF0, s23;
	v5 =	vadd.s32 s23, v1;
	s22 =	sadd.s32 $0xFFFFFFA0, s23;
	s30 =	sadd.s32 $0xFFFFFFB0, s23  }
0x2c: {  	s21 =	sadd.s32 $0xFFFFFFD0, s23;
	s31 =	sadd.s32 $0xFFFFFFE0, s23;
	s24 =	sadd.s32 $0xFFFFFF90, s23;
	v6 =	vadd.s32 s7, v1;
	vm0 =	vgt.s32 v5, $0xFFFFFC18  }
0x2d: {  	[tilespmem:s2], [sflag:$0x2] =	stream.linear.gather [hbm4b:s0+s2], $0x800, $0x38;
	v7 =	vadd.s32 s22, v1;
	v8 =	vadd.s32 s30, v1;
	v10 =	vadd.s32 s21, v1;
	[tilespmem:$0x8A00] =	vst v63  }
0x2e: {  	s0 =	sadd.s32 $0xFFFFFFC0, s23;
	v11 =	vadd.s32 s24, v1;
	v12 =	vadd.s32 s31, v1;
	vm1 =	vgt.s32 v6, $0xFFFFFC18  }
0x2f: {  	v9 =	vadd.s32 s0, v1;
	vm2 =	vgt.s32 v11, $0xFFFFFC18;
	vm3 =	vgt.s32 v7, $0xFFFFFC18  }
0x30: {  	vm8 =	vgt.s32 v8, $0xFFFFFC18;
	vm9 =	vgt.s32 v10, $0xFFFFFC18;
	vm5 =	vgt.s32 v12, $0xFFFFFC18  }
0x31: {  	v5 =	vnsel vm0, $0xFFFFFC18, v5;
	v6 =	vnsel vm1, $0xFFFFFC18, v6;
	vm4 =	vgt.s32 v9, $0xFFFFFC18  }
0x32: {  	v11 =	vnsel vm2, $0xFFFFFC18, v11;
	v7 =	vnsel vm3, $0xFFFFFC18, v7;
	v8 =	vnsel vm8, $0xFFFFFC18, v8  }
0x33: {  	v10 =	vnsel vm9, $0xFFFFFC18, v10;
	v12 =	vnsel vm5, $0xFFFFFC18, v12;
	vm1 =	vlt.s32 v6, $0x3E7  }
0x34: {  	s22 =	sadd.s32 $0x8, s3;
	vm15 =	vlt.s32 v5, $0x3E7;
	v9 =	vnsel vm4, $0xFFFFFC18, v9;
	v6 =	vnsel vm1, $0x3E7, v6  }
0x35: {  	p3 =	slt.u32 s22, s5;
	vm10 =	vlt.s32 v11, $0x3E7;
	vm11 =	vlt.s32 v7, $0x3E7;
	v6 =	vadd.s32 $0x3E8, v6  }
.Ltmp0:
0x36: {  	vm12 =	vlt.s32 v8, $0x3E7;
	vm14 =	vlt.s32 v10, $0x3E7;
	vm5 =	vlt.s32 v12, $0x3E7;
	(pc) =	sbr.rel @!p3 .LBB2_2-.Ltmp0, $4  }
0x37: {  	_ =	swait.ge [sflag:s19], $0x800;
	vm13 =	vlt.s32 v9, $0x3E7;
	v13 =	vnsel vm10, $0x3E7, v11;
	v7 =	vnsel vm11, $0x3E7, v7  }
0x38: {  	[sflag:s19] =	ssyncset.done $0x0;
	v14 =	vnsel vm12, $0x3E7, v8;
	v11 =	vnsel vm14, $0x3E7, v10;
	v12 =	vnsel vm5, $0x3E7, v12  }
0x39: {  	[sflag:s19] =	ssyncadd.s32 $0xFFFFF800;
	v10 =	vnsel vm15, $0x3E7, v5;
	v15 =	vnsel vm13, $0x3E7, v9;
	v8 =	vadd.s32 $0x3E8, v13  }
0x3a: {  	p2 =	por $0x0, $0x0;
	s7 =	sadd.s32 $0x80, s23;
	v9 =	vadd.s32 $0x3E8, v7;
	v7 =	vadd.s32 $0x3E8, v14;
	v5 =	vld.idx.msk [tilespmem:v6+s2+$0x0], $0xffff;
	v6 =	vadd.s32 $0x3E8, v15  }
0x3b: {  	s24 =	sadd.s32 $0xFFFFFFF0, s7;
	v13 =	vadd.s32 s7, v1;
	v11 =	vadd.s32 $0x3E8, v11;
	v12 =	vadd.s32 $0x3E8, v12  }
0x3c: {  	s30 =	sadd.s32 $0xFFFFFFA0, s7;
	s21 =	sadd.s32 $0xFFFFFFB0, s7;
	v10 =	vadd.s32 $0x3E8, v10;
	s0 =	sadd.s32 $0xFFFFFFD0, s7;
	v14 =	vadd.s32 s24, v1;
	vm0 =	vgt.s32 v13, $0xFFFFFC18  }
0x3d: {  	s31 =	sadd.s32 $0xFFFFFF90, s7;
	v15 =	vadd.s32 s30, v1;
	v16 =	vadd.s32 s21, v1;
	s24 =	sadd.s32 $0xFFFFFFC0, s7;
	v18 =	vadd.s32 s0, v1  }
0x3e: {  	s30 =	sadd.s32 $0xFFFFFFE0, s7;
	v19 =	vadd.s32 s31, v1;
	vm1 =	vgt.s32 v14, $0xFFFFFC18;
	v17 =	vadd.s32 s24, v1  }
0x3f: {  	v8 =	vld.idx.msk [tilespmem:v8+s2+$0x0], $0xffff;
	v20 =	vadd.s32 s30, v1;
	vm2 =	vgt.s32 v19, $0xFFFFFC18;
	v14 =	vnsel vm1, $0xFFFFFC18, v14  }
0x40: {  	v9 =	vld.idx.msk [tilespmem:v9+s2+$0x0], $0xffff;
	vm3 =	vgt.s32 v15, $0xFFFFFC18;
	vm8 =	vgt.s32 v16, $0xFFFFFC18;
	vm1 =	vlt.s32 v14, $0x3E7  }
0x41: {  	v7 =	vld.idx.msk [tilespmem:v7+s2+$0x0], $0xffff;
	vm9 =	vgt.s32 v18, $0xFFFFFC18;
	v13 =	vnsel vm0, $0xFFFFFC18, v13;
	v14 =	vnsel vm1, $0x3E7, v14  }
0x42: {  	vm4 =	vgt.s32 v17, $0xFFFFFC18;
	v19 =	vnsel vm2, $0xFFFFFC18, v19;
	[tilespmem:s25+$0x20] =	vst v5;
	v5 =	vld.idx.msk [tilespmem:v11+s2+$0x0], $0xffff;
	v14 =	vadd.s32 $0x3E8, v14  }
0x43: {  	v6 =	vld.idx.msk [tilespmem:v6+s2+$0x0], $0xffff;
	vm5 =	vgt.s32 v20, $0xFFFFFC18;
	vm15 =	vlt.s32 v13, $0x3E7;
	v60 =	vnsel vm4, $0xFFFFFC18, v17  }
0x44: {  	s30 =	sadd.s32 $0x8, s22;
	v62 =	vnsel vm5, $0xFFFFFC18, v20;
	vm10 =	vlt.s32 v19, $0x3E7;
	v11 =	vnsel vm3, $0xFFFFFC18, v15;
	v61 =	vld.idx.msk [tilespmem:v12+s2+$0x0], $0xffff;
	[tilespmem:s25+$0xFFFFFFC0] =	vst v8  }
0x45: {  	p3 =	slt.u32 s30, s5;
	v15 =	vnsel vm8, $0xFFFFFC18, v16;
	v12 =	vnsel vm9, $0xFFFFFC18, v18;
	v63 =	vld.idx.msk [tilespmem:v10+s2+$0x0], $0xffff;
	[tilespmem:s25+$0xFFFFFFD0] =	vst v9;
	vm13 =	vlt.s32 v60, $0x3E7  }
.Ltmp1:
0x46: {  	vm5 =	vlt.s32 v62, $0x3E7;
	[tilespmem:s25+$0xFFFFFFE0] =	vst v7;
	v7 =	vnsel vm10, $0x3E7, v19;
	v10 =	vnsel vm15, $0x3E7, v13;
	(pc) =	sbr.rel @!p3 .LBB2_4-.Ltmp1, $4  }
0x47: {  	vm11 =	vlt.s32 v11, $0x3E7;
	vm12 =	vlt.s32 v15, $0x3E7;
	vm14 =	vlt.s32 v12, $0x3E7;
	[tilespmem:s25+$0x0] =	vst v5;
	v5 =	vld.idx.msk [tilespmem:v14+s2+$0x0], $0xffff  }
0x48: {  	[tilespmem:s25+$0xFFFFFFF0] =	vst v6;
	v8 =	vadd.s32 $0x3E8, v7;
	v9 =	vnsel vm11, $0x3E7, v11;
	v6 =	vnsel vm12, $0x3E7, v15  }
0x49: {  	v15 =	vnsel vm13, $0x3E7, v60;
	v11 =	vnsel vm14, $0x3E7, v12;
	v12 =	vnsel vm5, $0x3E7, v62;
	[tilespmem:s25+$0x10] =	vst v61  }
0x4a: {  	p2 =	por $0x1, $0x1;
	s7 =	sadd.s32 $0x80, s7;
	s22 =	smov.u32 s25;
	v9 =	vadd.s32 $0x3E8, v9;
	v7 =	vadd.s32 $0x3E8, v6;
	v6 =	vadd.s32 $0x3E8, v15;
	[tilespmem:s25+$0x30] =	vst v63  }
.LBB2_5:
0x4b: {  	s21 =	sadd.s32 $0xFFFFFFF0, s7;
	v13 =	vadd.s32 s7, v1;
	s30 =	sadd.s32 $0x8, s30;
	v11 =	vadd.s32 $0x3E8, v11;
	v12 =	vadd.s32 $0x3E8, v12;
	s22 =	sadd.s32 $0x80, s22  }
0x4c: {  	s24 =	sadd.s32 $0xFFFFFFA0, s7;
	s31 =	sadd.s32 $0xFFFFFFB0, s7;
	v14 =	vadd.s32 s21, v1;
	vm0 =	vgt.s32 v13, $0xFFFFFC18;
	p3 =	slt.u32 s30, s5;
	[tilespmem:s22+$0x20] =	vst v5;
	v5 =	vadd.s32 $0x3E8, v10  }
0x4d: {  	v10 =	vadd.s32 s24, v1;
	v15 =	vadd.s32 s31, v1;
	s21 =	sadd.s32 $0xFFFFFFC0, s7;
	s24 =	sadd.s32 $0xFFFFFFD0, s7;
	s31 =	sadd.s32 $0xFFFFFFE0, s7;
	vm1 =	vgt.s32 v14, $0xFFFFFC18  }
0x4e: {  	s0 =	sadd.s32 $0xFFFFFF90, s7;
	v16 =	vadd.s32 s21, v1;
	v17 =	vadd.s32 s24, v1;
	v14 =	vnsel vm1, $0xFFFFFC18, v14;
	v8 =	vld.idx.msk [tilespmem:v8+s2+$0x0], $0xffff  }
0x4f: {  	v18 =	vadd.s32 s0, v1;
	v19 =	vadd.s32 s31, v1;
	vm1 =	vlt.s32 v14, $0x3E7;
	v9 =	vld.idx.msk [tilespmem:v9+s2+$0x0], $0xffff  }
0x50: {  	vm2 =	vgt.s32 v18, $0xFFFFFC18;
	vm3 =	vgt.s32 v10, $0xFFFFFC18;
	v14 =	vnsel vm1, $0x3E7, v14;
	v7 =	vld.idx.msk [tilespmem:v7+s2+$0x0], $0xffff  }
0x51: {  	vm4 =	vgt.s32 v16, $0xFFFFFC18;
	vm1 =	vgt.s32 v15, $0xFFFFFC18;
	v14 =	vadd.s32 $0x3E8, v14;
	v6 =	vld.idx.msk [tilespmem:v6+s2+$0x0], $0xffff  }
0x52: {  	v18 =	vnsel vm2, $0xFFFFFC18, v18;
	vm2 =	vgt.s32 v17, $0xFFFFFC18;
	vm5 =	vgt.s32 v19, $0xFFFFFC18;
	v20 =	vld.idx.msk [tilespmem:v11+s2+$0x0], $0xffff  }
0x53: {  	v10 =	vnsel vm3, $0xFFFFFC18, v10;
	v11 =	vnsel vm1, $0xFFFFFC18, v15;
	v15 =	vnsel vm4, $0xFFFFFC18, v16;
	v16 =	vld.idx.msk [tilespmem:v12+s2+$0x0], $0xffff  }
0x54: {  	v13 =	vnsel vm0, $0xFFFFFC18, v13;
	v12 =	vnsel vm2, $0xFFFFFC18, v17;
	v17 =	vnsel vm5, $0xFFFFFC18, v19;
	[tilespmem:s22+$0xFFFFFFC0] =	vst v8;
	v19 =	vld.idx.msk [tilespmem:v5+s2+$0x0], $0xffff  }
0x55: {  	vm0 =	vlt.s32 v18, $0x3E7;
	vm1 =	vlt.s32 v10, $0x3E7;
	vm2 =	vlt.s32 v11, $0x3E7;
	[tilespmem:s22+$0xFFFFFFD0] =	vst v9  }
.Ltmp2:
0x56: {  	vm3 =	vlt.s32 v15, $0x3E7;
	vm4 =	vlt.s32 v12, $0x3E7;
	vm5 =	vlt.s32 v17, $0x3E7;
	v5 =	vld.idx.msk [tilespmem:v14+s2+$0x0], $0xffff;
	[tilespmem:s22+$0xFFFFFFE0] =	vst v7;
	(pc) =	sbr.rel @p3 .LBB2_5-.Ltmp2, $4  }
0x57: {  	v9 =	vnsel vm1, $0x3E7, v10;
	v7 =	vnsel vm0, $0x3E7, v18;
	vm0 =	vlt.s32 v13, $0x3E7;
	[tilespmem:s22+$0xFFFFFFF0] =	vst v6  }
0x58: {  	v14 =	vnsel vm3, $0x3E7, v15;
	v6 =	vnsel vm2, $0x3E7, v11;
	v11 =	vnsel vm4, $0x3E7, v12;
	[tilespmem:s22+$0x0] =	vst v20  }
0x59: {  	v8 =	vadd.s32 $0x3E8, v7;
	v12 =	vnsel vm5, $0x3E7, v17;
	v10 =	vnsel vm0, $0x3E7, v13;
	[tilespmem:s22+$0x10] =	vst v16  }
0x5a: {  	s7 =	sadd.s32 $0x80, s7;
	v9 =	vadd.s32 $0x3E8, v9;
	v7 =	vadd.s32 $0x3E8, v6;
	v6 =	vadd.s32 $0x3E8, v14;
	[tilespmem:s22+$0x30] =	vst v19  }
.LBB2_6:
0x5b: {  	_ =	sdelay $0x2  }
0x5c: {  	v11 =	vadd.s32 $0x3E8, v11  }
0x5d: {  	v12 =	vadd.s32 $0x3E8, v12;
	v8 =	vld.idx.msk [tilespmem:v8+s2+$0x0], $0xffff  }
0x5e: {  	v10 =	vadd.s32 $0x3E8, v10;
	v9 =	vld.idx.msk [tilespmem:v9+s2+$0x0], $0xffff  }
0x5f: {  	s0 =	sadd.s32 @p2 $0x80, s22;
	s7 =	smov.u32 s25;
	v7 =	vld.idx.msk [tilespmem:v7+s2+$0x0], $0xffff  }
0x60: {  	v6 =	vld.idx.msk [tilespmem:v6+s2+$0x0], $0xffff;
	s7 =	smov.u32 @p2 s0  }
0x61: {  	[tilespmem:s7+$0x20] =	vst v5;
	v5 =	vld.idx.msk [tilespmem:v11+s2+$0x0], $0xffff  }
0x62: {  	v62 =	vld.idx.msk [tilespmem:v12+s2+$0x0], $0xffff;
	[tilespmem:s7+$0xFFFFFFC0] =	vst v8  }
0x63: {  	v63 =	vld.idx.msk [tilespmem:v10+s2+$0x0], $0xffff;
	[tilespmem:s7+$0xFFFFFFD0] =	vst v9  }
0x64: {  	[tilespmem:s7+$0xFFFFFFE0] =	vst v7  }
.Ltmp3:
0x65: {  	[tilespmem:s7+$0xFFFFFFF0] =	vst v6;
	(pc) =	sbr.rel @p0 .LBB2_8-.Ltmp3, $4  }
0x66: {  	[tilespmem:s7+$0x0] =	vst v5  }
0x67: {  	[tilespmem:s7+$0x10] =	vst v62  }
0x68: {  	[tilespmem:s7+$0x30] =	vst v63  }
0x69: {  	s30 =	smov.u32 s8;
	s7 =	smov.u32 s10;
	s22 =	rddreg [dreg:$0x5]  }
.LBB2_7:
0x6a: {  	v5 =	vadd.s32 s7, v1  }
0x6b: {  	vm0 =	vgt.s32 v5, $0xFFFFFC18  }
0x6c: {  	v5 =	vnsel vm0, $0xFFFFFC18, v5  }
0x6d: {  	vm0 =	vlt.s32 v5, $0x3E7  }
0x6e: {  	v5 =	vnsel vm0, $0x3E7, v5  }
0x6f: {  	v5 =	vadd.s32 $0x3E8, v5;
	_ =	sdelay $0x4  }
0x70: {  	p2 =	seq.s32 s30, $0x1;
	v5 =	vld.idx.msk [tilespmem:v5+s2+$0x0], $0xffff  }
.Ltmp4:
0x71: {  	_ = 	snop;
	(pc) =	sbr.rel @!p2 .LBB2_7-.Ltmp4, $2  }
0x72: {  	_ =	sdelay $0x2  }
0x73: {  	s7 =	sadd.s32 $0x10, s7;
	s30 =	sadd.s32 $0xFFFFFFFF, s30;
	[tilespmem:s22+$0x0] =	vst v5;
	s22 =	sadd.s32 $0x10, s22  }
.LBB2_8:
0x74: {  	s0 =	sadd.s32 $0xFFFFFFF0, s23;
	v5 =	vadd.s32 s23, v2  }
0x75: {  	s7 =	sadd.s32 $0xFFFFFFA0, s23;
	s21 =	sadd.s32 $0xFFFFFFB0, s23;
	s24 =	sadd.s32 $0xFFFFFFC0, s23;
	v6 =	vadd.s32 s0, v2;
	vm0 =	vgt.s32 v5, $0xFFFFFC18  }
0x76: {  	s30 =	sadd.s32 $0xFFFFFFD0, s23;
	s31 =	sadd.s32 $0xFFFFFFE0, s23;
	s22 =	sadd.s32 $0xFFFFFF90, s23;
	v7 =	vadd.s32 s7, v2;
	v8 =	vadd.s32 s21, v2;
	v9 =	vadd.s32 s24, v2  }
0x77: {  	v10 =	vadd.s32 s30, v2;
	v11 =	vadd.s32 s22, v2;
	v12 =	vadd.s32 s31, v2  }
0x78: {  	vm1 =	vgt.s32 v6, $0xFFFFFC18;
	vm2 =	vgt.s32 v11, $0xFFFFFC18;
	vm3 =	vgt.s32 v7, $0xFFFFFC18  }
0x79: {  	vm8 =	vgt.s32 v8, $0xFFFFFC18;
	vm4 =	vgt.s32 v9, $0xFFFFFC18;
	vm9 =	vgt.s32 v10, $0xFFFFFC18  }
0x7a: {  	vm5 =	vgt.s32 v12, $0xFFFFFC18;
	v5 =	vnsel vm0, $0xFFFFFC18, v5;
	v6 =	vnsel vm1, $0xFFFFFC18, v6  }
0x7b: {  	v11 =	vnsel vm2, $0xFFFFFC18, v11;
	v7 =	vnsel vm3, $0xFFFFFC18, v7;
	v8 =	vnsel vm8, $0xFFFFFC18, v8  }
0x7c: {  	v9 =	vnsel vm4, $0xFFFFFC18, v9;
	v10 =	vnsel vm9, $0xFFFFFC18, v10;
	vm1 =	vlt.s32 v6, $0x3E7  }
0x7d: {  	s22 =	sadd.s32 $0x8, s3;
	v12 =	vnsel vm5, $0xFFFFFC18, v12;
	vm15 =	vlt.s32 v5, $0x3E7;
	v6 =	vnsel vm1, $0x3E7, v6  }
0x7e: {  	p3 =	slt.u32 s22, s5;
	vm10 =	vlt.s32 v11, $0x3E7;
	vm11 =	vlt.s32 v7, $0x3E7;
	v6 =	vadd.s32 $0x3E8, v6  }
.Ltmp5:
0x7f: {  	vm12 =	vlt.s32 v8, $0x3E7;
	vm13 =	vlt.s32 v9, $0x3E7;
	vm14 =	vlt.s32 v10, $0x3E7;
	(pc) =	sbr.rel @!p3 .LBB2_9-.Ltmp5, $4  }
0x80: {  	vm5 =	vlt.s32 v12, $0x3E7;
	v13 =	vnsel vm10, $0x3E7, v11;
	v7 =	vnsel vm11, $0x3E7, v7  }
0x81: {  	v14 =	vnsel vm12, $0x3E7, v8;
	v15 =	vnsel vm13, $0x3E7, v9;
	v11 =	vnsel vm14, $0x3E7, v10  }
0x82: {  	v12 =	vnsel vm5, $0x3E7, v12;
	v10 =	vnsel vm15, $0x3E7, v5;
	v8 =	vadd.s32 $0x3E8, v13  }
0x83: {  	p2 =	por $0x0, $0x0;
	s7 =	sadd.s32 $0x80, s23;
	v9 =	vadd.s32 $0x3E8, v7;
	v7 =	vadd.s32 $0x3E8, v14;
	v5 =	vld.idx.msk [tilespmem:v6+s2+$0x0], $0xffff;
	v6 =	vadd.s32 $0x3E8, v15  }
0x84: {  	s0 =	sadd.s32 $0xFFFFFFF0, s7;
	v13 =	vadd.s32 s7, v2;
	v11 =	vadd.s32 $0x3E8, v11;
	v12 =	vadd.s32 $0x3E8, v12  }
0x85: {  	s21 =	sadd.s32 $0xFFFFFFA0, s7;
	s24 =	sadd.s32 $0xFFFFFFB0, s7;
	v10 =	vadd.s32 $0x3E8, v10;
	s30 =	sadd.s32 $0xFFFFFF90, s7;
	v14 =	vadd.s32 s0, v2;
	vm0 =	vgt.s32 v13, $0xFFFFFC18  }
0x86: {  	s31 =	sadd.s32 $0xFFFFFFE0, s7;
	v15 =	vadd.s32 s21, v2;
	v16 =	vadd.s32 s24, v2;
	s21 =	sadd.s32 $0xFFFFFFC0, s7;
	v19 =	vadd.s32 s30, v2  }
0x87: {  	s24 =	sadd.s32 $0xFFFFFFD0, s7;
	v20 =	vadd.s32 s31, v2;
	vm1 =	vgt.s32 v14, $0xFFFFFC18;
	v17 =	vadd.s32 s21, v2  }
0x88: {  	v8 =	vld.idx.msk [tilespmem:v8+s2+$0x0], $0xffff;
	v18 =	vadd.s32 s24, v2;
	vm2 =	vgt.s32 v19, $0xFFFFFC18;
	v14 =	vnsel vm1, $0xFFFFFC18, v14  }
0x89: {  	v9 =	vld.idx.msk [tilespmem:v9+s2+$0x0], $0xffff;
	vm3 =	vgt.s32 v15, $0xFFFFFC18;
	vm8 =	vgt.s32 v16, $0xFFFFFC18;
	vm1 =	vlt.s32 v14, $0x3E7  }
0x8a: {  	v7 =	vld.idx.msk [tilespmem:v7+s2+$0x0], $0xffff;
	vm5 =	vgt.s32 v20, $0xFFFFFC18;
	v13 =	vnsel vm0, $0xFFFFFC18, v13;
	v14 =	vnsel vm1, $0x3E7, v14  }
0x8b: {  	vm4 =	vgt.s32 v17, $0xFFFFFC18;
	v19 =	vnsel vm2, $0xFFFFFC18, v19;
	[tilespmem:s26+$0xFFFFFFF0] =	vst v5;
	v5 =	vld.idx.msk [tilespmem:v11+s2+$0x0], $0xffff;
	v14 =	vadd.s32 $0x3E8, v14  }
0x8c: {  	v6 =	vld.idx.msk [tilespmem:v6+s2+$0x0], $0xffff;
	vm9 =	vgt.s32 v18, $0xFFFFFC18;
	v62 =	vnsel vm5, $0xFFFFFC18, v20;
	vm15 =	vlt.s32 v13, $0x3E7  }
0x8d: {  	s30 =	sadd.s32 $0x8, s22;
	v60 =	vnsel vm4, $0xFFFFFC18, v17;
	vm10 =	vlt.s32 v19, $0x3E7;
	vm5 =	vlt.s32 v62, $0x3E7;
	v61 =	vld.idx.msk [tilespmem:v12+s2+$0x0], $0xffff;
	[tilespmem:s26+$0xFFFFFF90] =	vst v8  }
0x8e: {  	p3 =	slt.u32 s30, s5;
	v11 =	vnsel vm3, $0xFFFFFC18, v15;
	v15 =	vnsel vm8, $0xFFFFFC18, v16;
	v12 =	vnsel vm9, $0xFFFFFC18, v18;
	v63 =	vld.idx.msk [tilespmem:v10+s2+$0x0], $0xffff;
	[tilespmem:s26+$0xFFFFFFA0] =	vst v9  }
.Ltmp6:
0x8f: {  	vm13 =	vlt.s32 v60, $0x3E7;
	[tilespmem:s26+$0xFFFFFFB0] =	vst v7;
	v7 =	vnsel vm10, $0x3E7, v19;
	v10 =	vnsel vm15, $0x3E7, v13;
	(pc) =	sbr.rel @!p3 .LBB2_11-.Ltmp6, $4  }
0x90: {  	vm11 =	vlt.s32 v11, $0x3E7;
	vm12 =	vlt.s32 v15, $0x3E7;
	vm14 =	vlt.s32 v12, $0x3E7;
	[tilespmem:s26+$0xFFFFFFD0] =	vst v5;
	v5 =	vld.idx.msk [tilespmem:v14+s2+$0x0], $0xffff  }
0x91: {  	[tilespmem:s26+$0xFFFFFFC0] =	vst v6;
	v8 =	vadd.s32 $0x3E8, v7;
	v9 =	vnsel vm11, $0x3E7, v11;
	v6 =	vnsel vm12, $0x3E7, v15  }
0x92: {  	v15 =	vnsel vm13, $0x3E7, v60;
	v11 =	vnsel vm14, $0x3E7, v12;
	v12 =	vnsel vm5, $0x3E7, v62;
	[tilespmem:s26+$0xFFFFFFE0] =	vst v61  }
0x93: {  	p2 =	por $0x1, $0x1;
	s7 =	sadd.s32 $0x80, s7;
	s22 =	smov.u32 s26;
	v9 =	vadd.s32 $0x3E8, v9;
	v7 =	vadd.s32 $0x3E8, v6;
	v6 =	vadd.s32 $0x3E8, v15;
	[tilespmem:s26+$0x0] =	vst v63  }
.LBB2_12:
0x94: {  	s0 =	sadd.s32 $0xFFFFFFF0, s7;
	v13 =	vadd.s32 s7, v2;
	s30 =	sadd.s32 $0x8, s30;
	v11 =	vadd.s32 $0x3E8, v11;
	v12 =	vadd.s32 $0x3E8, v12;
	s22 =	sadd.s32 $0x80, s22  }
0x95: {  	s21 =	sadd.s32 $0xFFFFFFA0, s7;
	s24 =	sadd.s32 $0xFFFFFFB0, s7;
	v14 =	vadd.s32 s0, v2;
	vm0 =	vgt.s32 v13, $0xFFFFFC18;
	p3 =	slt.u32 s30, s5;
	[tilespmem:s22+$0xFFFFFFF0] =	vst v5;
	v5 =	vadd.s32 $0x3E8, v10  }
0x96: {  	v10 =	vadd.s32 s21, v2;
	v15 =	vadd.s32 s24, v2;
	s0 =	sadd.s32 $0xFFFFFFC0, s7;
	s21 =	sadd.s32 $0xFFFFFFD0, s7;
	s24 =	sadd.s32 $0xFFFFFFE0, s7;
	vm1 =	vgt.s32 v14, $0xFFFFFC18  }
0x97: {  	s31 =	sadd.s32 $0xFFFFFF90, s7;
	v16 =	vadd.s32 s0, v2;
	v17 =	vadd.s32 s21, v2;
	v14 =	vnsel vm1, $0xFFFFFC18, v14;
	v8 =	vld.idx.msk [tilespmem:v8+s2+$0x0], $0xffff  }
0x98: {  	v18 =	vadd.s32 s31, v2;
	v19 =	vadd.s32 s24, v2;
	vm1 =	vlt.s32 v14, $0x3E7;
	v9 =	vld.idx.msk [tilespmem:v9+s2+$0x0], $0xffff  }
0x99: {  	vm2 =	vgt.s32 v18, $0xFFFFFC18;
	vm3 =	vgt.s32 v10, $0xFFFFFC18;
	v14 =	vnsel vm1, $0x3E7, v14;
	v7 =	vld.idx.msk [tilespmem:v7+s2+$0x0], $0xffff  }
0x9a: {  	vm4 =	vgt.s32 v16, $0xFFFFFC18;
	vm1 =	vgt.s32 v15, $0xFFFFFC18;
	v14 =	vadd.s32 $0x3E8, v14;
	v6 =	vld.idx.msk [tilespmem:v6+s2+$0x0], $0xffff  }
0x9b: {  	v18 =	vnsel vm2, $0xFFFFFC18, v18;
	vm2 =	vgt.s32 v17, $0xFFFFFC18;
	vm5 =	vgt.s32 v19, $0xFFFFFC18;
	v20 =	vld.idx.msk [tilespmem:v11+s2+$0x0], $0xffff  }
0x9c: {  	v10 =	vnsel vm3, $0xFFFFFC18, v10;
	v11 =	vnsel vm1, $0xFFFFFC18, v15;
	v15 =	vnsel vm4, $0xFFFFFC18, v16;
	v16 =	vld.idx.msk [tilespmem:v12+s2+$0x0], $0xffff  }
0x9d: {  	v13 =	vnsel vm0, $0xFFFFFC18, v13;
	v12 =	vnsel vm2, $0xFFFFFC18, v17;
	v17 =	vnsel vm5, $0xFFFFFC18, v19;
	[tilespmem:s22+$0xFFFFFF90] =	vst v8;
	v19 =	vld.idx.msk [tilespmem:v5+s2+$0x0], $0xffff  }
0x9e: {  	vm0 =	vlt.s32 v18, $0x3E7;
	vm1 =	vlt.s32 v10, $0x3E7;
	vm2 =	vlt.s32 v11, $0x3E7;
	[tilespmem:s22+$0xFFFFFFA0] =	vst v9  }
.Ltmp7:
0x9f: {  	vm3 =	vlt.s32 v15, $0x3E7;
	vm4 =	vlt.s32 v12, $0x3E7;
	vm5 =	vlt.s32 v17, $0x3E7;
	v5 =	vld.idx.msk [tilespmem:v14+s2+$0x0], $0xffff;
	[tilespmem:s22+$0xFFFFFFB0] =	vst v7;
	(pc) =	sbr.rel @p3 .LBB2_12-.Ltmp7, $4  }
0xa0: {  	v9 =	vnsel vm1, $0x3E7, v10;
	v7 =	vnsel vm0, $0x3E7, v18;
	vm0 =	vlt.s32 v13, $0x3E7;
	[tilespmem:s22+$0xFFFFFFC0] =	vst v6  }
0xa1: {  	v14 =	vnsel vm3, $0x3E7, v15;
	v6 =	vnsel vm2, $0x3E7, v11;
	v11 =	vnsel vm4, $0x3E7, v12;
	[tilespmem:s22+$0xFFFFFFD0] =	vst v20  }
0xa2: {  	v8 =	vadd.s32 $0x3E8, v7;
	v12 =	vnsel vm5, $0x3E7, v17;
	v10 =	vnsel vm0, $0x3E7, v13;
	[tilespmem:s22+$0xFFFFFFE0] =	vst v16  }
0xa3: {  	s7 =	sadd.s32 $0x80, s7;
	v9 =	vadd.s32 $0x3E8, v9;
	v7 =	vadd.s32 $0x3E8, v6;
	v6 =	vadd.s32 $0x3E8, v14;
	[tilespmem:s22+$0x0] =	vst v19  }
.LBB2_13:
0xa4: {  	_ =	sdelay $0x2  }
0xa5: {  	v11 =	vadd.s32 $0x3E8, v11  }
0xa6: {  	v12 =	vadd.s32 $0x3E8, v12;
	v8 =	vld.idx.msk [tilespmem:v8+s2+$0x0], $0xffff  }
0xa7: {  	v10 =	vadd.s32 $0x3E8, v10;
	v9 =	vld.idx.msk [tilespmem:v9+s2+$0x0], $0xffff  }
0xa8: {  	s0 =	sadd.s32 @p2 $0x80, s22;
	s7 =	smov.u32 s26;
	v7 =	vld.idx.msk [tilespmem:v7+s2+$0x0], $0xffff  }
0xa9: {  	v6 =	vld.idx.msk [tilespmem:v6+s2+$0x0], $0xffff;
	s7 =	smov.u32 @p2 s0  }
0xaa: {  	[tilespmem:s7+$0xFFFFFFF0] =	vst v5;
	v5 =	vld.idx.msk [tilespmem:v11+s2+$0x0], $0xffff  }
0xab: {  	v62 =	vld.idx.msk [tilespmem:v12+s2+$0x0], $0xffff;
	[tilespmem:s7+$0xFFFFFF90] =	vst v8  }
0xac: {  	v63 =	vld.idx.msk [tilespmem:v10+s2+$0x0], $0xffff;
	[tilespmem:s7+$0xFFFFFFA0] =	vst v9  }
0xad: {  	[tilespmem:s7+$0xFFFFFFB0] =	vst v7  }
.Ltmp8:
0xae: {  	[tilespmem:s7+$0xFFFFFFC0] =	vst v6;
	(pc) =	sbr.rel @p0 .LBB2_15-.Ltmp8, $4  }
0xaf: {  	[tilespmem:s7+$0xFFFFFFD0] =	vst v5  }
0xb0: {  	[tilespmem:s7+$0xFFFFFFE0] =	vst v62  }
0xb1: {  	[tilespmem:s7+$0x0] =	vst v63  }
0xb2: {  	s30 =	smov.u32 s8;
	s7 =	smov.u32 s10;
	s22 =	rddreg [dreg:$0x6]  }
.LBB2_14:
0xb3: {  	v5 =	vadd.s32 s7, v2  }
0xb4: {  	vm0 =	vgt.s32 v5, $0xFFFFFC18  }
0xb5: {  	v5 =	vnsel vm0, $0xFFFFFC18, v5  }
0xb6: {  	vm0 =	vlt.s32 v5, $0x3E7  }
0xb7: {  	v5 =	vnsel vm0, $0x3E7, v5  }
0xb8: {  	v5 =	vadd.s32 $0x3E8, v5;
	_ =	sdelay $0x4  }
0xb9: {  	p2 =	seq.s32 s30, $0x1;
	v5 =	vld.idx.msk [tilespmem:v5+s2+$0x0], $0xffff  }
.Ltmp9:
0xba: {  	_ = 	snop;
	(pc) =	sbr.rel @!p2 .LBB2_14-.Ltmp9, $2  }
0xbb: {  	_ =	sdelay $0x2  }
0xbc: {  	s7 =	sadd.s32 $0x10, s7;
	s30 =	sadd.s32 $0xFFFFFFFF, s30;
	[tilespmem:s22+$0x0] =	vst v5;
	s22 =	sadd.s32 $0x10, s22  }
.LBB2_15:
0xbd: {  	s0 =	sadd.s32 $0xFFFFFFF0, s23;
	v5 =	vadd.s32 s23, v3  }
0xbe: {  	s7 =	sadd.s32 $0xFFFFFFA0, s23;
	s21 =	sadd.s32 $0xFFFFFFB0, s23;
	s24 =	sadd.s32 $0xFFFFFFC0, s23;
	v6 =	vadd.s32 s0, v3;
	vm0 =	vgt.s32 v5, $0xFFFFFC18  }
0xbf: {  	s30 =	sadd.s32 $0xFFFFFFD0, s23;
	s31 =	sadd.s32 $0xFFFFFFE0, s23;
	s22 =	sadd.s32 $0xFFFFFF90, s23;
	v7 =	vadd.s32 s7, v3;
	v8 =	vadd.s32 s21, v3;
	v9 =	vadd.s32 s24, v3  }
0xc0: {  	v10 =	vadd.s32 s30, v3;
	v11 =	vadd.s32 s22, v3;
	v12 =	vadd.s32 s31, v3  }
0xc1: {  	vm1 =	vgt.s32 v6, $0xFFFFFC18;
	vm2 =	vgt.s32 v11, $0xFFFFFC18;
	vm3 =	vgt.s32 v7, $0xFFFFFC18  }
0xc2: {  	vm8 =	vgt.s32 v8, $0xFFFFFC18;
	vm4 =	vgt.s32 v9, $0xFFFFFC18;
	vm9 =	vgt.s32 v10, $0xFFFFFC18  }
0xc3: {  	vm5 =	vgt.s32 v12, $0xFFFFFC18;
	v5 =	vnsel vm0, $0xFFFFFC18, v5;
	v6 =	vnsel vm1, $0xFFFFFC18, v6  }
0xc4: {  	v11 =	vnsel vm2, $0xFFFFFC18, v11;
	v7 =	vnsel vm3, $0xFFFFFC18, v7;
	v8 =	vnsel vm8, $0xFFFFFC18, v8  }
0xc5: {  	v9 =	vnsel vm4, $0xFFFFFC18, v9;
	v10 =	vnsel vm9, $0xFFFFFC18, v10;
	vm1 =	vlt.s32 v6, $0x3E7  }
0xc6: {  	s22 =	sadd.s32 $0x8, s3;
	v12 =	vnsel vm5, $0xFFFFFC18, v12;
	vm15 =	vlt.s32 v5, $0x3E7;
	v6 =	vnsel vm1, $0x3E7, v6  }
0xc7: {  	p3 =	slt.u32 s22, s5;
	vm10 =	vlt.s32 v11, $0x3E7;
	vm11 =	vlt.s32 v7, $0x3E7;
	v6 =	vadd.s32 $0x3E8, v6  }
.Ltmp10:
0xc8: {  	vm12 =	vlt.s32 v8, $0x3E7;
	vm13 =	vlt.s32 v9, $0x3E7;
	vm14 =	vlt.s32 v10, $0x3E7;
	(pc) =	sbr.rel @!p3 .LBB2_16-.Ltmp10, $4  }
0xc9: {  	vm5 =	vlt.s32 v12, $0x3E7;
	v13 =	vnsel vm10, $0x3E7, v11;
	v7 =	vnsel vm11, $0x3E7, v7  }
0xca: {  	v14 =	vnsel vm12, $0x3E7, v8;
	v15 =	vnsel vm13, $0x3E7, v9;
	v11 =	vnsel vm14, $0x3E7, v10  }
0xcb: {  	v12 =	vnsel vm5, $0x3E7, v12;
	v10 =	vnsel vm15, $0x3E7, v5;
	v8 =	vadd.s32 $0x3E8, v13  }
0xcc: {  	p2 =	por $0x0, $0x0;
	s7 =	sadd.s32 $0x80, s23;
	v9 =	vadd.s32 $0x3E8, v7;
	v7 =	vadd.s32 $0x3E8, v14;
	v5 =	vld.idx.msk [tilespmem:v6+s2+$0x0], $0xffff;
	v6 =	vadd.s32 $0x3E8, v15  }
0xcd: {  	s0 =	sadd.s32 $0xFFFFFFF0, s7;
	v13 =	vadd.s32 s7, v3;
	v11 =	vadd.s32 $0x3E8, v11;
	v12 =	vadd.s32 $0x3E8, v12  }
0xce: {  	s21 =	sadd.s32 $0xFFFFFFA0, s7;
	s24 =	sadd.s32 $0xFFFFFFB0, s7;
	v10 =	vadd.s32 $0x3E8, v10;
	s30 =	sadd.s32 $0xFFFFFF90, s7;
	v14 =	vadd.s32 s0, v3;
	vm0 =	vgt.s32 v13, $0xFFFFFC18  }
0xcf: {  	s31 =	sadd.s32 $0xFFFFFFE0, s7;
	v15 =	vadd.s32 s21, v3;
	v16 =	vadd.s32 s24, v3;
	s21 =	sadd.s32 $0xFFFFFFC0, s7;
	v19 =	vadd.s32 s30, v3  }
0xd0: {  	s24 =	sadd.s32 $0xFFFFFFD0, s7;
	v20 =	vadd.s32 s31, v3;
	vm1 =	vgt.s32 v14, $0xFFFFFC18;
	v17 =	vadd.s32 s21, v3  }
0xd1: {  	v8 =	vld.idx.msk [tilespmem:v8+s2+$0x0], $0xffff;
	v18 =	vadd.s32 s24, v3;
	vm2 =	vgt.s32 v19, $0xFFFFFC18;
	v14 =	vnsel vm1, $0xFFFFFC18, v14  }
0xd2: {  	v9 =	vld.idx.msk [tilespmem:v9+s2+$0x0], $0xffff;
	vm3 =	vgt.s32 v15, $0xFFFFFC18;
	vm8 =	vgt.s32 v16, $0xFFFFFC18;
	vm1 =	vlt.s32 v14, $0x3E7  }
0xd3: {  	v7 =	vld.idx.msk [tilespmem:v7+s2+$0x0], $0xffff;
	vm5 =	vgt.s32 v20, $0xFFFFFC18;
	v13 =	vnsel vm0, $0xFFFFFC18, v13;
	v14 =	vnsel vm1, $0x3E7, v14  }
0xd4: {  	vm4 =	vgt.s32 v17, $0xFFFFFC18;
	v19 =	vnsel vm2, $0xFFFFFC18, v19;
	[tilespmem:s28+$0xFFFFFFF0] =	vst v5;
	v5 =	vld.idx.msk [tilespmem:v11+s2+$0x0], $0xffff;
	v14 =	vadd.s32 $0x3E8, v14  }
0xd5: {  	v6 =	vld.idx.msk [tilespmem:v6+s2+$0x0], $0xffff;
	vm9 =	vgt.s32 v18, $0xFFFFFC18;
	v62 =	vnsel vm5, $0xFFFFFC18, v20;
	vm15 =	vlt.s32 v13, $0x3E7  }
0xd6: {  	s30 =	sadd.s32 $0x8, s22;
	v60 =	vnsel vm4, $0xFFFFFC18, v17;
	vm10 =	vlt.s32 v19, $0x3E7;
	vm5 =	vlt.s32 v62, $0x3E7;
	v61 =	vld.idx.msk [tilespmem:v12+s2+$0x0], $0xffff;
	[tilespmem:s28+$0xFFFFFF90] =	vst v8  }
0xd7: {  	p3 =	slt.u32 s30, s5;
	v11 =	vnsel vm3, $0xFFFFFC18, v15;
	v15 =	vnsel vm8, $0xFFFFFC18, v16;
	v12 =	vnsel vm9, $0xFFFFFC18, v18;
	v63 =	vld.idx.msk [tilespmem:v10+s2+$0x0], $0xffff;
	[tilespmem:s28+$0xFFFFFFA0] =	vst v9  }
.Ltmp11:
0xd8: {  	vm13 =	vlt.s32 v60, $0x3E7;
	[tilespmem:s28+$0xFFFFFFB0] =	vst v7;
	v7 =	vnsel vm10, $0x3E7, v19;
	v10 =	vnsel vm15, $0x3E7, v13;
	(pc) =	sbr.rel @!p3 .LBB2_18-.Ltmp11, $4  }
0xd9: {  	vm11 =	vlt.s32 v11, $0x3E7;
	vm12 =	vlt.s32 v15, $0x3E7;
	vm14 =	vlt.s32 v12, $0x3E7;
	[tilespmem:s28+$0xFFFFFFD0] =	vst v5;
	v5 =	vld.idx.msk [tilespmem:v14+s2+$0x0], $0xffff  }
0xda: {  	[tilespmem:s28+$0xFFFFFFC0] =	vst v6;
	v8 =	vadd.s32 $0x3E8, v7;
	v9 =	vnsel vm11, $0x3E7, v11;
	v6 =	vnsel vm12, $0x3E7, v15  }
0xdb: {  	v15 =	vnsel vm13, $0x3E7, v60;
	v11 =	vnsel vm14, $0x3E7, v12;
	v12 =	vnsel vm5, $0x3E7, v62;
	[tilespmem:s28+$0xFFFFFFE0] =	vst v61  }
0xdc: {  	p2 =	por $0x1, $0x1;
	s7 =	sadd.s32 $0x80, s7;
	s22 =	smov.u32 s28;
	v9 =	vadd.s32 $0x3E8, v9;
	v7 =	vadd.s32 $0x3E8, v6;
	v6 =	vadd.s32 $0x3E8, v15;
	[tilespmem:s28+$0x0] =	vst v63  }
.LBB2_19:
0xdd: {  	s0 =	sadd.s32 $0xFFFFFFF0, s7;
	v13 =	vadd.s32 s7, v3;
	s30 =	sadd.s32 $0x8, s30;
	v11 =	vadd.s32 $0x3E8, v11;
	v12 =	vadd.s32 $0x3E8, v12;
	s22 =	sadd.s32 $0x80, s22  }
0xde: {  	s21 =	sadd.s32 $0xFFFFFFA0, s7;
	s24 =	sadd.s32 $0xFFFFFFB0, s7;
	v14 =	vadd.s32 s0, v3;
	vm0 =	vgt.s32 v13, $0xFFFFFC18;
	p3 =	slt.u32 s30, s5;
	[tilespmem:s22+$0xFFFFFFF0] =	vst v5;
	v5 =	vadd.s32 $0x3E8, v10  }
0xdf: {  	v10 =	vadd.s32 s21, v3;
	v15 =	vadd.s32 s24, v3;
	s0 =	sadd.s32 $0xFFFFFFC0, s7;
	s21 =	sadd.s32 $0xFFFFFFD0, s7;
	s24 =	sadd.s32 $0xFFFFFFE0, s7;
	vm1 =	vgt.s32 v14, $0xFFFFFC18  }
0xe0: {  	s31 =	sadd.s32 $0xFFFFFF90, s7;
	v16 =	vadd.s32 s0, v3;
	v17 =	vadd.s32 s21, v3;
	v14 =	vnsel vm1, $0xFFFFFC18, v14;
	v8 =	vld.idx.msk [tilespmem:v8+s2+$0x0], $0xffff  }
0xe1: {  	v18 =	vadd.s32 s31, v3;
	v19 =	vadd.s32 s24, v3;
	vm1 =	vlt.s32 v14, $0x3E7;
	v9 =	vld.idx.msk [tilespmem:v9+s2+$0x0], $0xffff  }
0xe2: {  	vm2 =	vgt.s32 v18, $0xFFFFFC18;
	vm3 =	vgt.s32 v10, $0xFFFFFC18;
	v14 =	vnsel vm1, $0x3E7, v14;
	v7 =	vld.idx.msk [tilespmem:v7+s2+$0x0], $0xffff  }
0xe3: {  	vm4 =	vgt.s32 v16, $0xFFFFFC18;
	vm1 =	vgt.s32 v15, $0xFFFFFC18;
	v14 =	vadd.s32 $0x3E8, v14;
	v6 =	vld.idx.msk [tilespmem:v6+s2+$0x0], $0xffff  }
0xe4: {  	v18 =	vnsel vm2, $0xFFFFFC18, v18;
	vm2 =	vgt.s32 v17, $0xFFFFFC18;
	vm5 =	vgt.s32 v19, $0xFFFFFC18;
	v20 =	vld.idx.msk [tilespmem:v11+s2+$0x0], $0xffff  }
0xe5: {  	v10 =	vnsel vm3, $0xFFFFFC18, v10;
	v11 =	vnsel vm1, $0xFFFFFC18, v15;
	v15 =	vnsel vm4, $0xFFFFFC18, v16;
	v16 =	vld.idx.msk [tilespmem:v12+s2+$0x0], $0xffff  }
0xe6: {  	v13 =	vnsel vm0, $0xFFFFFC18, v13;
	v12 =	vnsel vm2, $0xFFFFFC18, v17;
	v17 =	vnsel vm5, $0xFFFFFC18, v19;
	[tilespmem:s22+$0xFFFFFF90] =	vst v8;
	v19 =	vld.idx.msk [tilespmem:v5+s2+$0x0], $0xffff  }
0xe7: {  	vm0 =	vlt.s32 v18, $0x3E7;
	vm1 =	vlt.s32 v10, $0x3E7;
	vm2 =	vlt.s32 v11, $0x3E7;
	[tilespmem:s22+$0xFFFFFFA0] =	vst v9  }
.Ltmp12:
0xe8: {  	vm3 =	vlt.s32 v15, $0x3E7;
	vm4 =	vlt.s32 v12, $0x3E7;
	vm5 =	vlt.s32 v17, $0x3E7;
	v5 =	vld.idx.msk [tilespmem:v14+s2+$0x0], $0xffff;
	[tilespmem:s22+$0xFFFFFFB0] =	vst v7;
	(pc) =	sbr.rel @p3 .LBB2_19-.Ltmp12, $4  }
0xe9: {  	v9 =	vnsel vm1, $0x3E7, v10;
	v7 =	vnsel vm0, $0x3E7, v18;
	vm0 =	vlt.s32 v13, $0x3E7;
	[tilespmem:s22+$0xFFFFFFC0] =	vst v6  }
0xea: {  	v14 =	vnsel vm3, $0x3E7, v15;
	v6 =	vnsel vm2, $0x3E7, v11;
	v11 =	vnsel vm4, $0x3E7, v12;
	[tilespmem:s22+$0xFFFFFFD0] =	vst v20  }
0xeb: {  	v8 =	vadd.s32 $0x3E8, v7;
	v12 =	vnsel vm5, $0x3E7, v17;
	v10 =	vnsel vm0, $0x3E7, v13;
	[tilespmem:s22+$0xFFFFFFE0] =	vst v16  }
0xec: {  	s7 =	sadd.s32 $0x80, s7;
	v9 =	vadd.s32 $0x3E8, v9;
	v7 =	vadd.s32 $0x3E8, v6;
	v6 =	vadd.s32 $0x3E8, v14;
	[tilespmem:s22+$0x0] =	vst v19  }
.LBB2_20:
0xed: {  	_ =	sdelay $0x2  }
0xee: {  	v11 =	vadd.s32 $0x3E8, v11  }
0xef: {  	v12 =	vadd.s32 $0x3E8, v12;
	v8 =	vld.idx.msk [tilespmem:v8+s2+$0x0], $0xffff  }
0xf0: {  	v10 =	vadd.s32 $0x3E8, v10;
	v9 =	vld.idx.msk [tilespmem:v9+s2+$0x0], $0xffff  }
0xf1: {  	s0 =	sadd.s32 @p2 $0x80, s22;
	s7 =	smov.u32 s28;
	v7 =	vld.idx.msk [tilespmem:v7+s2+$0x0], $0xffff  }
0xf2: {  	v6 =	vld.idx.msk [tilespmem:v6+s2+$0x0], $0xffff;
	s7 =	smov.u32 @p2 s0  }
0xf3: {  	[tilespmem:s7+$0xFFFFFFF0] =	vst v5;
	v5 =	vld.idx.msk [tilespmem:v11+s2+$0x0], $0xffff  }
0xf4: {  	v62 =	vld.idx.msk [tilespmem:v12+s2+$0x0], $0xffff;
	[tilespmem:s7+$0xFFFFFF90] =	vst v8  }
0xf5: {  	v63 =	vld.idx.msk [tilespmem:v10+s2+$0x0], $0xffff;
	[tilespmem:s7+$0xFFFFFFA0] =	vst v9  }
0xf6: {  	[tilespmem:s7+$0xFFFFFFB0] =	vst v7  }
.Ltmp13:
0xf7: {  	[tilespmem:s7+$0xFFFFFFC0] =	vst v6;
	(pc) =	sbr.rel @p0 .LBB2_22-.Ltmp13, $4  }
0xf8: {  	[tilespmem:s7+$0xFFFFFFD0] =	vst v5  }
0xf9: {  	[tilespmem:s7+$0xFFFFFFE0] =	vst v62  }
0xfa: {  	[tilespmem:s7+$0x0] =	vst v63  }
0xfb: {  	s30 =	smov.u32 s8;
	s7 =	smov.u32 s10;
	s22 =	rddreg [dreg:$0x7]  }
.LBB2_21:
0xfc: {  	v5 =	vadd.s32 s7, v3  }
0xfd: {  	vm0 =	vgt.s32 v5, $0xFFFFFC18  }
0xfe: {  	v5 =	vnsel vm0, $0xFFFFFC18, v5  }
0xff: {  	vm0 =	vlt.s32 v5, $0x3E7  }
0x100: {  	v5 =	vnsel vm0, $0x3E7, v5  }
0x101: {  	v5 =	vadd.s32 $0x3E8, v5;
	_ =	sdelay $0x4  }
0x102: {  	p2 =	seq.s32 s30, $0x1;
	v5 =	vld.idx.msk [tilespmem:v5+s2+$0x0], $0xffff  }
.Ltmp14:
0x103: {  	_ = 	snop;
	(pc) =	sbr.rel @!p2 .LBB2_21-.Ltmp14, $2  }
0x104: {  	_ =	sdelay $0x2  }
0x105: {  	s7 =	sadd.s32 $0x10, s7;
	s30 =	sadd.s32 $0xFFFFFFFF, s30;
	[tilespmem:s22+$0x0] =	vst v5;
	s22 =	sadd.s32 $0x10, s22  }
.LBB2_22:
0x106: {  	s0 =	sadd.s32 $0xFFFFFFF0, s23;
	v5 =	vadd.s32 s23, v4  }
0x107: {  	s7 =	sadd.s32 $0xFFFFFFA0, s23;
	s21 =	sadd.s32 $0xFFFFFFB0, s23;
	s24 =	sadd.s32 $0xFFFFFFC0, s23;
	v6 =	vadd.s32 s0, v4;
	vm0 =	vgt.s32 v5, $0xFFFFFC18  }
0x108: {  	s30 =	sadd.s32 $0xFFFFFFD0, s23;
	s31 =	sadd.s32 $0xFFFFFFE0, s23;
	s22 =	sadd.s32 $0xFFFFFF90, s23;
	v7 =	vadd.s32 s7, v4;
	v8 =	vadd.s32 s21, v4;
	v9 =	vadd.s32 s24, v4  }
0x109: {  	v10 =	vadd.s32 s30, v4;
	v11 =	vadd.s32 s22, v4;
	v12 =	vadd.s32 s31, v4  }
0x10a: {  	vm1 =	vgt.s32 v6, $0xFFFFFC18;
	vm2 =	vgt.s32 v11, $0xFFFFFC18;
	vm3 =	vgt.s32 v7, $0xFFFFFC18  }
0x10b: {  	vm8 =	vgt.s32 v8, $0xFFFFFC18;
	vm4 =	vgt.s32 v9, $0xFFFFFC18;
	vm9 =	vgt.s32 v10, $0xFFFFFC18  }
0x10c: {  	vm5 =	vgt.s32 v12, $0xFFFFFC18;
	v5 =	vnsel vm0, $0xFFFFFC18, v5;
	v6 =	vnsel vm1, $0xFFFFFC18, v6  }
0x10d: {  	v11 =	vnsel vm2, $0xFFFFFC18, v11;
	v7 =	vnsel vm3, $0xFFFFFC18, v7;
	v8 =	vnsel vm8, $0xFFFFFC18, v8  }
0x10e: {  	v9 =	vnsel vm4, $0xFFFFFC18, v9;
	v10 =	vnsel vm9, $0xFFFFFC18, v10;
	vm1 =	vlt.s32 v6, $0x3E7  }
0x10f: {  	s22 =	sadd.s32 $0x8, s3;
	v12 =	vnsel vm5, $0xFFFFFC18, v12;
	vm15 =	vlt.s32 v5, $0x3E7;
	v6 =	vnsel vm1, $0x3E7, v6  }
0x110: {  	p3 =	slt.u32 s22, s5;
	vm10 =	vlt.s32 v11, $0x3E7;
	vm11 =	vlt.s32 v7, $0x3E7;
	v6 =	vadd.s32 $0x3E8, v6  }
.Ltmp15:
0x111: {  	vm12 =	vlt.s32 v8, $0x3E7;
	vm13 =	vlt.s32 v9, $0x3E7;
	vm14 =	vlt.s32 v10, $0x3E7;
	(pc) =	sbr.rel @!p3 .LBB2_23-.Ltmp15, $4  }
0x112: {  	vm5 =	vlt.s32 v12, $0x3E7;
	v13 =	vnsel vm10, $0x3E7, v11;
	v7 =	vnsel vm11, $0x3E7, v7  }
0x113: {  	v14 =	vnsel vm12, $0x3E7, v8;
	v15 =	vnsel vm13, $0x3E7, v9;
	v11 =	vnsel vm14, $0x3E7, v10  }
0x114: {  	v12 =	vnsel vm5, $0x3E7, v12;
	v10 =	vnsel vm15, $0x3E7, v5;
	v8 =	vadd.s32 $0x3E8, v13  }
0x115: {  	p2 =	por $0x0, $0x0;
	s7 =	sadd.s32 $0x80, s23;
	v9 =	vadd.s32 $0x3E8, v7;
	v7 =	vadd.s32 $0x3E8, v14;
	v5 =	vld.idx.msk [tilespmem:v6+s2+$0x0], $0xffff;
	v6 =	vadd.s32 $0x3E8, v15  }
0x116: {  	s0 =	sadd.s32 $0xFFFFFFF0, s7;
	v13 =	vadd.s32 s7, v4;
	v11 =	vadd.s32 $0x3E8, v11;
	v12 =	vadd.s32 $0x3E8, v12  }
0x117: {  	s21 =	sadd.s32 $0xFFFFFFA0, s7;
	s24 =	sadd.s32 $0xFFFFFFB0, s7;
	v10 =	vadd.s32 $0x3E8, v10;
	s30 =	sadd.s32 $0xFFFFFF90, s7;
	v14 =	vadd.s32 s0, v4;
	vm0 =	vgt.s32 v13, $0xFFFFFC18  }
0x118: {  	s31 =	sadd.s32 $0xFFFFFFE0, s7;
	v15 =	vadd.s32 s21, v4;
	v16 =	vadd.s32 s24, v4;
	s21 =	sadd.s32 $0xFFFFFFC0, s7;
	v19 =	vadd.s32 s30, v4  }
0x119: {  	s24 =	sadd.s32 $0xFFFFFFD0, s7;
	v20 =	vadd.s32 s31, v4;
	vm1 =	vgt.s32 v14, $0xFFFFFC18;
	v17 =	vadd.s32 s21, v4  }
0x11a: {  	v8 =	vld.idx.msk [tilespmem:v8+s2+$0x0], $0xffff;
	v18 =	vadd.s32 s24, v4;
	vm2 =	vgt.s32 v19, $0xFFFFFC18;
	v14 =	vnsel vm1, $0xFFFFFC18, v14  }
0x11b: {  	v9 =	vld.idx.msk [tilespmem:v9+s2+$0x0], $0xffff;
	vm3 =	vgt.s32 v15, $0xFFFFFC18;
	vm8 =	vgt.s32 v16, $0xFFFFFC18;
	vm1 =	vlt.s32 v14, $0x3E7  }
0x11c: {  	v7 =	vld.idx.msk [tilespmem:v7+s2+$0x0], $0xffff;
	vm5 =	vgt.s32 v20, $0xFFFFFC18;
	v13 =	vnsel vm0, $0xFFFFFC18, v13;
	v14 =	vnsel vm1, $0x3E7, v14  }
0x11d: {  	vm4 =	vgt.s32 v17, $0xFFFFFC18;
	v19 =	vnsel vm2, $0xFFFFFC18, v19;
	[tilespmem:s29+$0xFFFFFFF0] =	vst v5;
	v5 =	vld.idx.msk [tilespmem:v11+s2+$0x0], $0xffff;
	v14 =	vadd.s32 $0x3E8, v14  }
0x11e: {  	v6 =	vld.idx.msk [tilespmem:v6+s2+$0x0], $0xffff;
	vm9 =	vgt.s32 v18, $0xFFFFFC18;
	v62 =	vnsel vm5, $0xFFFFFC18, v20;
	vm15 =	vlt.s32 v13, $0x3E7  }
0x11f: {  	s30 =	sadd.s32 $0x8, s22;
	v60 =	vnsel vm4, $0xFFFFFC18, v17;
	vm10 =	vlt.s32 v19, $0x3E7;
	vm5 =	vlt.s32 v62, $0x3E7;
	v61 =	vld.idx.msk [tilespmem:v12+s2+$0x0], $0xffff;
	[tilespmem:s29+$0xFFFFFF90] =	vst v8  }
0x120: {  	p3 =	slt.u32 s30, s5;
	v11 =	vnsel vm3, $0xFFFFFC18, v15;
	v15 =	vnsel vm8, $0xFFFFFC18, v16;
	v12 =	vnsel vm9, $0xFFFFFC18, v18;
	v63 =	vld.idx.msk [tilespmem:v10+s2+$0x0], $0xffff;
	[tilespmem:s29+$0xFFFFFFA0] =	vst v9  }
.Ltmp16:
0x121: {  	vm13 =	vlt.s32 v60, $0x3E7;
	[tilespmem:s29+$0xFFFFFFB0] =	vst v7;
	v7 =	vnsel vm10, $0x3E7, v19;
	v10 =	vnsel vm15, $0x3E7, v13;
	(pc) =	sbr.rel @!p3 .LBB2_25-.Ltmp16, $4  }
0x122: {  	vm11 =	vlt.s32 v11, $0x3E7;
	vm12 =	vlt.s32 v15, $0x3E7;
	vm14 =	vlt.s32 v12, $0x3E7;
	[tilespmem:s29+$0xFFFFFFD0] =	vst v5;
	v5 =	vld.idx.msk [tilespmem:v14+s2+$0x0], $0xffff  }
0x123: {  	[tilespmem:s29+$0xFFFFFFC0] =	vst v6;
	v8 =	vadd.s32 $0x3E8, v7;
	v9 =	vnsel vm11, $0x3E7, v11;
	v6 =	vnsel vm12, $0x3E7, v15  }
0x124: {  	v15 =	vnsel vm13, $0x3E7, v60;
	v11 =	vnsel vm14, $0x3E7, v12;
	v12 =	vnsel vm5, $0x3E7, v62;
	[tilespmem:s29+$0xFFFFFFE0] =	vst v61  }
0x125: {  	p2 =	por $0x1, $0x1;
	s7 =	sadd.s32 $0x80, s7;
	s22 =	smov.u32 s29;
	v9 =	vadd.s32 $0x3E8, v9;
	v7 =	vadd.s32 $0x3E8, v6;
	v6 =	vadd.s32 $0x3E8, v15;
	[tilespmem:s29+$0x0] =	vst v63  }
.LBB2_26:
0x126: {  	s0 =	sadd.s32 $0xFFFFFFF0, s7;
	v13 =	vadd.s32 s7, v4;
	s30 =	sadd.s32 $0x8, s30;
	v11 =	vadd.s32 $0x3E8, v11;
	v12 =	vadd.s32 $0x3E8, v12;
	s22 =	sadd.s32 $0x80, s22  }
0x127: {  	s21 =	sadd.s32 $0xFFFFFFA0, s7;
	s24 =	sadd.s32 $0xFFFFFFB0, s7;
	v14 =	vadd.s32 s0, v4;
	vm0 =	vgt.s32 v13, $0xFFFFFC18;
	p3 =	slt.u32 s30, s5;
	[tilespmem:s22+$0xFFFFFFF0] =	vst v5;
	v5 =	vadd.s32 $0x3E8, v10  }
0x128: {  	v10 =	vadd.s32 s21, v4;
	v15 =	vadd.s32 s24, v4;
	s0 =	sadd.s32 $0xFFFFFFC0, s7;
	s21 =	sadd.s32 $0xFFFFFFD0, s7;
	s24 =	sadd.s32 $0xFFFFFFE0, s7;
	vm1 =	vgt.s32 v14, $0xFFFFFC18  }
0x129: {  	s31 =	sadd.s32 $0xFFFFFF90, s7;
	v16 =	vadd.s32 s0, v4;
	v17 =	vadd.s32 s21, v4;
	v14 =	vnsel vm1, $0xFFFFFC18, v14;
	v8 =	vld.idx.msk [tilespmem:v8+s2+$0x0], $0xffff  }
0x12a: {  	v18 =	vadd.s32 s31, v4;
	v19 =	vadd.s32 s24, v4;
	vm1 =	vlt.s32 v14, $0x3E7;
	v9 =	vld.idx.msk [tilespmem:v9+s2+$0x0], $0xffff  }
0x12b: {  	vm2 =	vgt.s32 v18, $0xFFFFFC18;
	vm3 =	vgt.s32 v10, $0xFFFFFC18;
	v14 =	vnsel vm1, $0x3E7, v14;
	v7 =	vld.idx.msk [tilespmem:v7+s2+$0x0], $0xffff  }
0x12c: {  	vm4 =	vgt.s32 v16, $0xFFFFFC18;
	vm1 =	vgt.s32 v15, $0xFFFFFC18;
	v14 =	vadd.s32 $0x3E8, v14;
	v6 =	vld.idx.msk [tilespmem:v6+s2+$0x0], $0xffff  }
0x12d: {  	v18 =	vnsel vm2, $0xFFFFFC18, v18;
	vm2 =	vgt.s32 v17, $0xFFFFFC18;
	vm5 =	vgt.s32 v19, $0xFFFFFC18;
	v20 =	vld.idx.msk [tilespmem:v11+s2+$0x0], $0xffff  }
0x12e: {  	v10 =	vnsel vm3, $0xFFFFFC18, v10;
	v11 =	vnsel vm1, $0xFFFFFC18, v15;
	v15 =	vnsel vm4, $0xFFFFFC18, v16;
	v16 =	vld.idx.msk [tilespmem:v12+s2+$0x0], $0xffff  }
0x12f: {  	v13 =	vnsel vm0, $0xFFFFFC18, v13;
	v12 =	vnsel vm2, $0xFFFFFC18, v17;
	v17 =	vnsel vm5, $0xFFFFFC18, v19;
	[tilespmem:s22+$0xFFFFFF90] =	vst v8;
	v19 =	vld.idx.msk [tilespmem:v5+s2+$0x0], $0xffff  }
0x130: {  	vm0 =	vlt.s32 v18, $0x3E7;
	vm1 =	vlt.s32 v10, $0x3E7;
	vm2 =	vlt.s32 v11, $0x3E7;
	[tilespmem:s22+$0xFFFFFFA0] =	vst v9  }
.Ltmp17:
0x131: {  	vm3 =	vlt.s32 v15, $0x3E7;
	vm4 =	vlt.s32 v12, $0x3E7;
	vm5 =	vlt.s32 v17, $0x3E7;
	v5 =	vld.idx.msk [tilespmem:v14+s2+$0x0], $0xffff;
	[tilespmem:s22+$0xFFFFFFB0] =	vst v7;
	(pc) =	sbr.rel @p3 .LBB2_26-.Ltmp17, $4  }
0x132: {  	v9 =	vnsel vm1, $0x3E7, v10;
	v7 =	vnsel vm0, $0x3E7, v18;
	vm0 =	vlt.s32 v13, $0x3E7;
	[tilespmem:s22+$0xFFFFFFC0] =	vst v6  }
0x133: {  	v14 =	vnsel vm3, $0x3E7, v15;
	v6 =	vnsel vm2, $0x3E7, v11;
	v11 =	vnsel vm4, $0x3E7, v12;
	[tilespmem:s22+$0xFFFFFFD0] =	vst v20  }
0x134: {  	v8 =	vadd.s32 $0x3E8, v7;
	v12 =	vnsel vm5, $0x3E7, v17;
	v10 =	vnsel vm0, $0x3E7, v13;
	[tilespmem:s22+$0xFFFFFFE0] =	vst v16  }
0x135: {  	s7 =	sadd.s32 $0x80, s7;
	v9 =	vadd.s32 $0x3E8, v9;
	v7 =	vadd.s32 $0x3E8, v6;
	v6 =	vadd.s32 $0x3E8, v14;
	[tilespmem:s22+$0x0] =	vst v19  }
.LBB2_27:
0x136: {  	_ =	sdelay $0x2  }
0x137: {  	v11 =	vadd.s32 $0x3E8, v11  }
0x138: {  	v12 =	vadd.s32 $0x3E8, v12;
	v8 =	vld.idx.msk [tilespmem:v8+s2+$0x0], $0xffff  }
0x139: {  	v10 =	vadd.s32 $0x3E8, v10;
	v9 =	vld.idx.msk [tilespmem:v9+s2+$0x0], $0xffff  }
0x13a: {  	s0 =	sadd.s32 @p2 $0x80, s22;
	s7 =	smov.u32 s29;
	v7 =	vld.idx.msk [tilespmem:v7+s2+$0x0], $0xffff  }
0x13b: {  	v6 =	vld.idx.msk [tilespmem:v6+s2+$0x0], $0xffff;
	s7 =	smov.u32 @p2 s0  }
0x13c: {  	[tilespmem:s7+$0xFFFFFFF0] =	vst v5;
	v5 =	vld.idx.msk [tilespmem:v11+s2+$0x0], $0xffff  }
0x13d: {  	v62 =	vld.idx.msk [tilespmem:v12+s2+$0x0], $0xffff;
	[tilespmem:s7+$0xFFFFFF90] =	vst v8  }
0x13e: {  	v63 =	vld.idx.msk [tilespmem:v10+s2+$0x0], $0xffff;
	[tilespmem:s7+$0xFFFFFFA0] =	vst v9  }
0x13f: {  	[tilespmem:s7+$0xFFFFFFB0] =	vst v7  }
.Ltmp18:
0x140: {  	[tilespmem:s7+$0xFFFFFFC0] =	vst v6;
	(pc) =	sbr.rel @p0 .LBB2_29-.Ltmp18, $4  }
0x141: {  	[tilespmem:s7+$0xFFFFFFD0] =	vst v5  }
0x142: {  	[tilespmem:s7+$0xFFFFFFE0] =	vst v62  }
0x143: {  	[tilespmem:s7+$0x0] =	vst v63  }
0x144: {  	s30 =	smov.u32 s8;
	s7 =	smov.u32 s10;
	s22 =	rddreg [dreg:$0x8]  }
.LBB2_28:
0x145: {  	v5 =	vadd.s32 s7, v4  }
0x146: {  	vm0 =	vgt.s32 v5, $0xFFFFFC18  }
0x147: {  	v5 =	vnsel vm0, $0xFFFFFC18, v5  }
0x148: {  	vm0 =	vlt.s32 v5, $0x3E7  }
0x149: {  	v5 =	vnsel vm0, $0x3E7, v5  }
0x14a: {  	v5 =	vadd.s32 $0x3E8, v5;
	_ =	sdelay $0x4  }
0x14b: {  	p2 =	seq.s32 s30, $0x1;
	v5 =	vld.idx.msk [tilespmem:v5+s2+$0x0], $0xffff  }
.Ltmp19:
0x14c: {  	_ = 	snop;
	(pc) =	sbr.rel @!p2 .LBB2_28-.Ltmp19, $2  }
0x14d: {  	_ =	sdelay $0x2  }
0x14e: {  	s7 =	sadd.s32 $0x10, s7;
	s30 =	sadd.s32 $0xFFFFFFFF, s30;
	[tilespmem:s22+$0x0] =	vst v5;
	s22 =	sadd.s32 $0x10, s22  }
.LBB2_29:
0x14f: {  	v5 =	vadd.s32 $0xFFFFF805, v0  }
0x150: {  	s0 =	sadd.s32 $0xFFFFFFA0, s23;
	s7 =	sadd.s32 $0xFFFFFFB0, s23;
	s24 =	sadd.s32 $0xFFFFFFD0, s23;
	v6 =	vadd.s32 s23, v5  }
0x151: {  	s21 =	sadd.s32 $0xFFFFFFE0, s23;
	s22 =	sadd.s32 $0xFFFFFF90, s23;
	v7 =	vadd.s32 s0, v5;
	v8 =	vadd.s32 s7, v5;
	v10 =	vadd.s32 s24, v5  }
0x152: {  	s31 =	sadd.s32 $0xFFFFFFF0, s23;
	s7 =	sadd.s32 $0xFFFFFFC0, s23;
	v11 =	vadd.s32 s22, v5;
	v12 =	vadd.s32 s21, v5;
	vm0 =	vgt.s32 v6, $0xFFFFFC18  }
0x153: {  	v13 =	vadd.s32 s31, v5;
	v9 =	vadd.s32 s7, v5;
	v6 =	vnsel vm0, $0xFFFFFC18, v6  }
0x154: {  	vm1 =	vgt.s32 v11, $0xFFFFFC18;
	vm13 =	vgt.s32 v7, $0xFFFFFC18;
	vm0 =	vlt.s32 v6, $0x3E7  }
0x155: {  	vm2 =	vgt.s32 v8, $0xFFFFFC18;
	vm4 =	vgt.s32 v10, $0xFFFFFC18;
	v6 =	vnsel vm0, $0x3E7, v6  }
0x156: {  	vm5 =	vgt.s32 v12, $0xFFFFFC18;
	vm14 =	vgt.s32 v13, $0xFFFFFC18;
	v6 =	vadd.s32 $0x3E8, v6  }
0x157: {  	vm3 =	vgt.s32 v9, $0xFFFFFC18;
	v11 =	vnsel vm1, $0xFFFFFC18, v11;
	v7 =	vnsel vm13, $0xFFFFFC18, v7  }
0x158: {  	v8 =	vnsel vm2, $0xFFFFFC18, v8;
	v10 =	vnsel vm4, $0xFFFFFC18, v10;
	v12 =	vnsel vm5, $0xFFFFFC18, v12  }
0x159: {  	s22 =	sadd.s32 $0x8, s3;
	v13 =	vnsel vm14, $0xFFFFFC18, v13;
	v9 =	vnsel vm3, $0xFFFFFC18, v9;
	vm1 =	vlt.s32 v11, $0x3E7  }
0x15a: {  	p2 =	slt.u32 s22, s5;
	vm15 =	vlt.s32 v7, $0x3E7;
	vm2 =	vlt.s32 v8, $0x3E7;
	vm4 =	vlt.s32 v10, $0x3E7  }
.Ltmp20:
0x15b: {  	vm5 =	vlt.s32 v12, $0x3E7;
	vm6 =	vlt.s32 v13, $0x3E7;
	v16 =	vnsel vm4, $0x3E7, v10;
	v10 =	vld.idx.msk [tilespmem:v6+s2+$0x0], $0xffff;
	(pc) =	sbr.rel @!p2 .LBB2_31-.Ltmp20, $4  }
0x15c: {  	vm3 =	vlt.s32 v9, $0x3E7;
	v11 =	vnsel vm1, $0x3E7, v11;
	v7 =	vnsel vm15, $0x3E7, v7  }
0x15d: {  	v14 =	vnsel vm2, $0x3E7, v8;
	v12 =	vnsel vm5, $0x3E7, v12;
	v13 =	vnsel vm6, $0x3E7, v13  }
0x15e: {  	v15 =	vnsel vm3, $0x3E7, v9;
	v11 =	vadd.s32 $0x3E8, v11;
	v8 =	vadd.s32 $0x3E8, v7  }
0x15f: {  	s30 =	rddreg [dreg:$0xc];
	s7 =	smov.u32 s23;
	v9 =	vadd.s32 $0x3E8, v14;
	v7 =	vadd.s32 $0x3E8, v15;
	v6 =	vadd.s32 $0x3E8, v16  }
.LBB2_30:
0x160: {  	v5 =	vadd.s32 $0xFFFFF805, v0;
	s22 =	sadd.s32 $0x8, s22;
	v12 =	vadd.s32 $0x3E8, v12;
	v13 =	vadd.s32 $0x3E8, v13;
	[tilespmem:s30+$0x0] =	vst v10;
	s7 =	sadd.s32 $0x80, s7  }
0x161: {  	s0 =	sadd.s32 $0xFFFFFFA0, s7;
	s21 =	sadd.s32 $0xFFFFFFB0, s7;
	v10 =	vadd.s32 s7, v5;
	p2 =	slt.u32 s22, s5  }
0x162: {  	s24 =	sadd.s32 $0xFFFFFFE0, s7;
	v14 =	vadd.s32 s0, v5;
	v15 =	vadd.s32 s21, v5;
	s0 =	sadd.s32 $0xFFFFFFC0, s7;
	s21 =	sadd.s32 $0xFFFFFFD0, s7;
	vm0 =	vgt.s32 v10, $0xFFFFFC18  }
0x163: {  	s31 =	sadd.s32 $0xFFFFFF90, s7;
	v16 =	vadd.s32 s0, v5;
	v17 =	vadd.s32 s21, v5;
	s0 =	sadd.s32 $0xFFFFFFF0, s7;
	v10 =	vnsel vm0, $0xFFFFFC18, v10;
	v11 =	vld.idx.msk [tilespmem:v11+s2+$0x0], $0xffff  }
0x164: {  	v18 =	vadd.s32 s31, v5;
	v19 =	vadd.s32 s24, v5;
	vm0 =	vlt.s32 v10, $0x3E7;
	v8 =	vld.idx.msk [tilespmem:v8+s2+$0x0], $0xffff  }
0x165: {  	vm1 =	vgt.s32 v18, $0xFFFFFC18;
	v20 =	vadd.s32 s0, v5;
	v10 =	vnsel vm0, $0x3E7, v10;
	v9 =	vld.idx.msk [tilespmem:v9+s2+$0x0], $0xffff  }
0x166: {  	vm2 =	vgt.s32 v15, $0xFFFFFC18;
	vm0 =	vgt.s32 v14, $0xFFFFFC18;
	v10 =	vadd.s32 $0x3E8, v10;
	v7 =	vld.idx.msk [tilespmem:v7+s2+$0x0], $0xffff  }
0x167: {  	vm5 =	vgt.s32 v19, $0xFFFFFC18;
	vm3 =	vgt.s32 v16, $0xFFFFFC18;
	vm4 =	vgt.s32 v17, $0xFFFFFC18;
	v6 =	vld.idx.msk [tilespmem:v6+s2+$0x0], $0xffff  }
0x168: {  	v18 =	vnsel vm1, $0xFFFFFC18, v18;
	v14 =	vnsel vm0, $0xFFFFFC18, v14;
	vm0 =	vgt.s32 v20, $0xFFFFFC18;
	v21 =	vld.idx.msk [tilespmem:v12+s2+$0x0], $0xffff  }
0x169: {  	v12 =	vnsel vm2, $0xFFFFFC18, v15;
	v15 =	vnsel vm3, $0xFFFFFC18, v16;
	v16 =	vnsel vm4, $0xFFFFFC18, v17;
	[tilespmem:s30+$0xFFFFFF90] =	vst v11;
	v17 =	vld.idx.msk [tilespmem:v13+s2+$0x0], $0xffff  }
0x16a: {  	vm1 =	vlt.s32 v18, $0x3E7;
	v11 =	vnsel vm5, $0xFFFFFC18, v19;
	v13 =	vnsel vm0, $0xFFFFFC18, v20;
	[tilespmem:s30+$0xFFFFFFA0] =	vst v8  }
0x16b: {  	vm0 =	vlt.s32 v14, $0x3E7;
	vm2 =	vlt.s32 v12, $0x3E7;
	vm3 =	vlt.s32 v15, $0x3E7;
	v10 =	vld.idx.msk [tilespmem:v10+s2+$0x0], $0xffff;
	[tilespmem:s30+$0xFFFFFFB0] =	vst v9  }
.Ltmp21:
0x16c: {  	vm4 =	vlt.s32 v16, $0x3E7;
	vm5 =	vlt.s32 v11, $0x3E7;
	vm6 =	vlt.s32 v13, $0x3E7;
	[tilespmem:s30+$0xFFFFFFC0] =	vst v7;
	(pc) =	sbr.rel @p2 .LBB2_30-.Ltmp21, $4  }
0x16d: {  	v8 =	vnsel vm0, $0x3E7, v14;
	v9 =	vnsel vm2, $0x3E7, v12;
	v7 =	vnsel vm1, $0x3E7, v18;
	[tilespmem:s30+$0xFFFFFFD0] =	vst v6  }
0x16e: {  	v14 =	vnsel vm4, $0x3E7, v16;
	v12 =	vnsel vm5, $0x3E7, v11;
	v6 =	vnsel vm3, $0x3E7, v15;
	[tilespmem:s30+$0xFFFFFFE0] =	vst v21  }
0x16f: {  	v8 =	vadd.s32 $0x3E8, v8;
	v13 =	vnsel vm6, $0x3E7, v13;
	v11 =	vadd.s32 $0x3E8, v7;
	[tilespmem:s30+$0xFFFFFFF0] =	vst v17  }
0x170: {  	v9 =	vadd.s32 $0x3E8, v9;
	v7 =	vadd.s32 $0x3E8, v6;
	v6 =	vadd.s32 $0x3E8, v14;
	s30 =	sadd.s32 $0x80, s30  }
.LBB2_31:
0x171: {  	_ =	sdelay $0x3  }
0x172: {  	v12 =	vadd.s32 $0x3E8, v12;
	v11 =	vld.idx.msk [tilespmem:v11+s2+$0x0], $0xffff  }
0x173: {  	v13 =	vadd.s32 $0x3E8, v13;
	v8 =	vld.idx.msk [tilespmem:v8+s2+$0x0], $0xffff  }
0x174: {  	v9 =	vld.idx.msk [tilespmem:v9+s2+$0x0], $0xffff  }
0x175: {  	v7 =	vld.idx.msk [tilespmem:v7+s2+$0x0], $0xffff  }
0x176: {  	[tilespmem:s30+$0x0] =	vst v10;
	v6 =	vld.idx.msk [tilespmem:v6+s2+$0x0], $0xffff  }
0x177: {  	v62 =	vld.idx.msk [tilespmem:v12+s2+$0x0], $0xffff;
	[tilespmem:s30+$0xFFFFFF90] =	vst v11  }
0x178: {  	v63 =	vld.idx.msk [tilespmem:v13+s2+$0x0], $0xffff;
	[tilespmem:s30+$0xFFFFFFA0] =	vst v8  }
0x179: {  	[tilespmem:s30+$0xFFFFFFB0] =	vst v9  }
.Ltmp22:
0x17a: {  	[tilespmem:s30+$0xFFFFFFC0] =	vst v7;
	(pc) =	sbr.rel @p0 .LBB2_33-.Ltmp22, $4  }
0x17b: {  	[tilespmem:s30+$0xFFFFFFD0] =	vst v6  }
0x17c: {  	[tilespmem:s30+$0xFFFFFFE0] =	vst v62  }
0x17d: {  	[tilespmem:s30+$0xFFFFFFF0] =	vst v63  }
0x17e: {  	s7 =	smov.u32 s10;
	s30 =	smov.u32 s8;
	s22 =	rddreg [dreg:$0x9]  }
.LBB2_32:
0x17f: {  	v6 =	vadd.s32 s7, v5  }
0x180: {  	vm0 =	vgt.s32 v6, $0xFFFFFC18  }
0x181: {  	v6 =	vnsel vm0, $0xFFFFFC18, v6  }
0x182: {  	vm0 =	vlt.s32 v6, $0x3E7  }
0x183: {  	v6 =	vnsel vm0, $0x3E7, v6  }
0x184: {  	v6 =	vadd.s32 $0x3E8, v6;
	_ =	sdelay $0x4  }
0x185: {  	p2 =	seq.s32 s30, $0x1;
	v6 =	vld.idx.msk [tilespmem:v6+s2+$0x0], $0xffff  }
.Ltmp23:
0x186: {  	_ = 	snop;
	(pc) =	sbr.rel @!p2 .LBB2_32-.Ltmp23, $2  }
0x187: {  	_ =	sdelay $0x2  }
0x188: {  	s7 =	sadd.s32 $0x10, s7;
	s30 =	sadd.s32 $0xFFFFFFFF, s30;
	[tilespmem:s22+$0x0] =	vst v6;
	s22 =	sadd.s32 $0x10, s22  }
.LBB2_33:
0x189: {  	v5 =	vadd.s32 $0xFFFFF806, v0  }
0x18a: {  	s0 =	sadd.s32 $0xFFFFFFA0, s23;
	s7 =	sadd.s32 $0xFFFFFFB0, s23;
	s24 =	sadd.s32 $0xFFFFFFD0, s23;
	v6 =	vadd.s32 s23, v5  }
0x18b: {  	s21 =	sadd.s32 $0xFFFFFFE0, s23;
	s22 =	sadd.s32 $0xFFFFFF90, s23;
	v7 =	vadd.s32 s0, v5;
	v8 =	vadd.s32 s7, v5;
	v10 =	vadd.s32 s24, v5  }
0x18c: {  	s31 =	sadd.s32 $0xFFFFFFF0, s23;
	s7 =	sadd.s32 $0xFFFFFFC0, s23;
	v11 =	vadd.s32 s22, v5;
	v12 =	vadd.s32 s21, v5;
	vm0 =	vgt.s32 v6, $0xFFFFFC18  }
0x18d: {  	v13 =	vadd.s32 s31, v5;
	v9 =	vadd.s32 s7, v5;
	v6 =	vnsel vm0, $0xFFFFFC18, v6  }
0x18e: {  	vm1 =	vgt.s32 v11, $0xFFFFFC18;
	vm13 =	vgt.s32 v7, $0xFFFFFC18;
	vm0 =	vlt.s32 v6, $0x3E7  }
0x18f: {  	vm2 =	vgt.s32 v8, $0xFFFFFC18;
	vm4 =	vgt.s32 v10, $0xFFFFFC18;
	v6 =	vnsel vm0, $0x3E7, v6  }
0x190: {  	vm5 =	vgt.s32 v12, $0xFFFFFC18;
	vm14 =	vgt.s32 v13, $0xFFFFFC18;
	v6 =	vadd.s32 $0x3E8, v6  }
0x191: {  	vm3 =	vgt.s32 v9, $0xFFFFFC18;
	v11 =	vnsel vm1, $0xFFFFFC18, v11;
	v7 =	vnsel vm13, $0xFFFFFC18, v7  }
0x192: {  	v8 =	vnsel vm2, $0xFFFFFC18, v8;
	v10 =	vnsel vm4, $0xFFFFFC18, v10;
	v12 =	vnsel vm5, $0xFFFFFC18, v12  }
0x193: {  	s22 =	sadd.s32 $0x8, s3;
	v13 =	vnsel vm14, $0xFFFFFC18, v13;
	v9 =	vnsel vm3, $0xFFFFFC18, v9;
	vm1 =	vlt.s32 v11, $0x3E7  }
0x194: {  	p2 =	slt.u32 s22, s5;
	vm15 =	vlt.s32 v7, $0x3E7;
	vm2 =	vlt.s32 v8, $0x3E7;
	vm4 =	vlt.s32 v10, $0x3E7  }
.Ltmp24:
0x195: {  	vm5 =	vlt.s32 v12, $0x3E7;
	vm6 =	vlt.s32 v13, $0x3E7;
	v16 =	vnsel vm4, $0x3E7, v10;
	v10 =	vld.idx.msk [tilespmem:v6+s2+$0x0], $0xffff;
	(pc) =	sbr.rel @!p2 .LBB2_35-.Ltmp24, $4  }
0x196: {  	vm3 =	vlt.s32 v9, $0x3E7;
	v11 =	vnsel vm1, $0x3E7, v11;
	v7 =	vnsel vm15, $0x3E7, v7  }
0x197: {  	v14 =	vnsel vm2, $0x3E7, v8;
	v12 =	vnsel vm5, $0x3E7, v12;
	v13 =	vnsel vm6, $0x3E7, v13  }
0x198: {  	v15 =	vnsel vm3, $0x3E7, v9;
	v11 =	vadd.s32 $0x3E8, v11;
	v8 =	vadd.s32 $0x3E8, v7  }
0x199: {  	s30 =	rddreg [dreg:$0xd];
	s7 =	smov.u32 s23;
	v9 =	vadd.s32 $0x3E8, v14;
	v7 =	vadd.s32 $0x3E8, v15;
	v6 =	vadd.s32 $0x3E8, v16  }
.LBB2_34:
0x19a: {  	v5 =	vadd.s32 $0xFFFFF806, v0;
	s22 =	sadd.s32 $0x8, s22;
	v12 =	vadd.s32 $0x3E8, v12;
	v13 =	vadd.s32 $0x3E8, v13;
	[tilespmem:s30+$0x0] =	vst v10;
	s7 =	sadd.s32 $0x80, s7  }
0x19b: {  	s0 =	sadd.s32 $0xFFFFFFA0, s7;
	s21 =	sadd.s32 $0xFFFFFFB0, s7;
	v10 =	vadd.s32 s7, v5;
	p2 =	slt.u32 s22, s5  }
0x19c: {  	s24 =	sadd.s32 $0xFFFFFFE0, s7;
	v14 =	vadd.s32 s0, v5;
	v15 =	vadd.s32 s21, v5;
	s0 =	sadd.s32 $0xFFFFFFC0, s7;
	s21 =	sadd.s32 $0xFFFFFFD0, s7;
	vm0 =	vgt.s32 v10, $0xFFFFFC18  }
0x19d: {  	s31 =	sadd.s32 $0xFFFFFF90, s7;
	v16 =	vadd.s32 s0, v5;
	v17 =	vadd.s32 s21, v5;
	s0 =	sadd.s32 $0xFFFFFFF0, s7;
	v10 =	vnsel vm0, $0xFFFFFC18, v10;
	v11 =	vld.idx.msk [tilespmem:v11+s2+$0x0], $0xffff  }
0x19e: {  	v18 =	vadd.s32 s31, v5;
	v19 =	vadd.s32 s24, v5;
	vm0 =	vlt.s32 v10, $0x3E7;
	v8 =	vld.idx.msk [tilespmem:v8+s2+$0x0], $0xffff  }
0x19f: {  	vm1 =	vgt.s32 v18, $0xFFFFFC18;
	v20 =	vadd.s32 s0, v5;
	v10 =	vnsel vm0, $0x3E7, v10;
	v9 =	vld.idx.msk [tilespmem:v9+s2+$0x0], $0xffff  }
0x1a0: {  	vm2 =	vgt.s32 v15, $0xFFFFFC18;
	vm0 =	vgt.s32 v14, $0xFFFFFC18;
	v10 =	vadd.s32 $0x3E8, v10;
	v7 =	vld.idx.msk [tilespmem:v7+s2+$0x0], $0xffff  }
0x1a1: {  	vm5 =	vgt.s32 v19, $0xFFFFFC18;
	vm3 =	vgt.s32 v16, $0xFFFFFC18;
	vm4 =	vgt.s32 v17, $0xFFFFFC18;
	v6 =	vld.idx.msk [tilespmem:v6+s2+$0x0], $0xffff  }
0x1a2: {  	v18 =	vnsel vm1, $0xFFFFFC18, v18;
	v14 =	vnsel vm0, $0xFFFFFC18, v14;
	vm0 =	vgt.s32 v20, $0xFFFFFC18;
	v21 =	vld.idx.msk [tilespmem:v12+s2+$0x0], $0xffff  }
0x1a3: {  	v12 =	vnsel vm2, $0xFFFFFC18, v15;
	v15 =	vnsel vm3, $0xFFFFFC18, v16;
	v16 =	vnsel vm4, $0xFFFFFC18, v17;
	[tilespmem:s30+$0xFFFFFF90] =	vst v11;
	v17 =	vld.idx.msk [tilespmem:v13+s2+$0x0], $0xffff  }
0x1a4: {  	vm1 =	vlt.s32 v18, $0x3E7;
	v11 =	vnsel vm5, $0xFFFFFC18, v19;
	v13 =	vnsel vm0, $0xFFFFFC18, v20;
	[tilespmem:s30+$0xFFFFFFA0] =	vst v8  }
0x1a5: {  	vm0 =	vlt.s32 v14, $0x3E7;
	vm2 =	vlt.s32 v12, $0x3E7;
	vm3 =	vlt.s32 v15, $0x3E7;
	v10 =	vld.idx.msk [tilespmem:v10+s2+$0x0], $0xffff;
	[tilespmem:s30+$0xFFFFFFB0] =	vst v9  }
.Ltmp25:
0x1a6: {  	vm4 =	vlt.s32 v16, $0x3E7;
	vm5 =	vlt.s32 v11, $0x3E7;
	vm6 =	vlt.s32 v13, $0x3E7;
	[tilespmem:s30+$0xFFFFFFC0] =	vst v7;
	(pc) =	sbr.rel @p2 .LBB2_34-.Ltmp25, $4  }
0x1a7: {  	v8 =	vnsel vm0, $0x3E7, v14;
	v9 =	vnsel vm2, $0x3E7, v12;
	v7 =	vnsel vm1, $0x3E7, v18;
	[tilespmem:s30+$0xFFFFFFD0] =	vst v6  }
0x1a8: {  	v14 =	vnsel vm4, $0x3E7, v16;
	v12 =	vnsel vm5, $0x3E7, v11;
	v6 =	vnsel vm3, $0x3E7, v15;
	[tilespmem:s30+$0xFFFFFFE0] =	vst v21  }
0x1a9: {  	v8 =	vadd.s32 $0x3E8, v8;
	v13 =	vnsel vm6, $0x3E7, v13;
	v11 =	vadd.s32 $0x3E8, v7;
	[tilespmem:s30+$0xFFFFFFF0] =	vst v17  }
0x1aa: {  	v9 =	vadd.s32 $0x3E8, v9;
	v7 =	vadd.s32 $0x3E8, v6;
	v6 =	vadd.s32 $0x3E8, v14;
	s30 =	sadd.s32 $0x80, s30  }
.LBB2_35:
0x1ab: {  	_ =	sdelay $0x3  }
0x1ac: {  	v12 =	vadd.s32 $0x3E8, v12;
	v11 =	vld.idx.msk [tilespmem:v11+s2+$0x0], $0xffff  }
0x1ad: {  	v13 =	vadd.s32 $0x3E8, v13;
	v8 =	vld.idx.msk [tilespmem:v8+s2+$0x0], $0xffff  }
0x1ae: {  	v9 =	vld.idx.msk [tilespmem:v9+s2+$0x0], $0xffff  }
0x1af: {  	v7 =	vld.idx.msk [tilespmem:v7+s2+$0x0], $0xffff  }
0x1b0: {  	[tilespmem:s30+$0x0] =	vst v10;
	v6 =	vld.idx.msk [tilespmem:v6+s2+$0x0], $0xffff  }
0x1b1: {  	v62 =	vld.idx.msk [tilespmem:v12+s2+$0x0], $0xffff;
	[tilespmem:s30+$0xFFFFFF90] =	vst v11  }
0x1b2: {  	v63 =	vld.idx.msk [tilespmem:v13+s2+$0x0], $0xffff;
	[tilespmem:s30+$0xFFFFFFA0] =	vst v8  }
0x1b3: {  	[tilespmem:s30+$0xFFFFFFB0] =	vst v9  }
.Ltmp26:
0x1b4: {  	[tilespmem:s30+$0xFFFFFFC0] =	vst v7;
	(pc) =	sbr.rel @p0 .LBB2_37-.Ltmp26, $4  }
0x1b5: {  	[tilespmem:s30+$0xFFFFFFD0] =	vst v6  }
0x1b6: {  	[tilespmem:s30+$0xFFFFFFE0] =	vst v62  }
0x1b7: {  	[tilespmem:s30+$0xFFFFFFF0] =	vst v63  }
0x1b8: {  	s7 =	smov.u32 s10;
	s30 =	smov.u32 s8;
	s22 =	rddreg [dreg:$0xa]  }
.LBB2_36:
0x1b9: {  	v6 =	vadd.s32 s7, v5  }
0x1ba: {  	vm0 =	vgt.s32 v6, $0xFFFFFC18  }
0x1bb: {  	v6 =	vnsel vm0, $0xFFFFFC18, v6  }
0x1bc: {  	vm0 =	vlt.s32 v6, $0x3E7  }
0x1bd: {  	v6 =	vnsel vm0, $0x3E7, v6  }
0x1be: {  	v6 =	vadd.s32 $0x3E8, v6;
	_ =	sdelay $0x4  }
0x1bf: {  	p2 =	seq.s32 s30, $0x1;
	v6 =	vld.idx.msk [tilespmem:v6+s2+$0x0], $0xffff  }
.Ltmp27:
0x1c0: {  	_ = 	snop;
	(pc) =	sbr.rel @!p2 .LBB2_36-.Ltmp27, $2  }
0x1c1: {  	_ =	sdelay $0x2  }
0x1c2: {  	s7 =	sadd.s32 $0x10, s7;
	s30 =	sadd.s32 $0xFFFFFFFF, s30;
	[tilespmem:s22+$0x0] =	vst v6;
	s22 =	sadd.s32 $0x10, s22  }
.LBB2_37:
0x1c3: {  	v5 =	vadd.s32 $0xFFFFF807, v0  }
0x1c4: {  	s0 =	sadd.s32 $0xFFFFFFA0, s23;
	s7 =	sadd.s32 $0xFFFFFFB0, s23;
	s24 =	sadd.s32 $0xFFFFFFD0, s23;
	v6 =	vadd.s32 s23, v5  }
0x1c5: {  	s21 =	sadd.s32 $0xFFFFFFE0, s23;
	s22 =	sadd.s32 $0xFFFFFF90, s23;
	v7 =	vadd.s32 s0, v5;
	v8 =	vadd.s32 s7, v5;
	v10 =	vadd.s32 s24, v5  }
0x1c6: {  	s31 =	sadd.s32 $0xFFFFFFF0, s23;
	s7 =	sadd.s32 $0xFFFFFFC0, s23;
	v11 =	vadd.s32 s22, v5;
	v12 =	vadd.s32 s21, v5;
	vm0 =	vgt.s32 v6, $0xFFFFFC18  }
0x1c7: {  	v13 =	vadd.s32 s31, v5;
	v9 =	vadd.s32 s7, v5;
	v6 =	vnsel vm0, $0xFFFFFC18, v6  }
0x1c8: {  	vm1 =	vgt.s32 v11, $0xFFFFFC18;
	vm13 =	vgt.s32 v7, $0xFFFFFC18;
	vm0 =	vlt.s32 v6, $0x3E7  }
0x1c9: {  	vm2 =	vgt.s32 v8, $0xFFFFFC18;
	vm4 =	vgt.s32 v10, $0xFFFFFC18;
	v6 =	vnsel vm0, $0x3E7, v6  }
0x1ca: {  	vm5 =	vgt.s32 v12, $0xFFFFFC18;
	vm14 =	vgt.s32 v13, $0xFFFFFC18;
	v6 =	vadd.s32 $0x3E8, v6  }
0x1cb: {  	vm3 =	vgt.s32 v9, $0xFFFFFC18;
	v11 =	vnsel vm1, $0xFFFFFC18, v11;
	v7 =	vnsel vm13, $0xFFFFFC18, v7  }
0x1cc: {  	v8 =	vnsel vm2, $0xFFFFFC18, v8;
	v10 =	vnsel vm4, $0xFFFFFC18, v10;
	v12 =	vnsel vm5, $0xFFFFFC18, v12  }
0x1cd: {  	s22 =	sadd.s32 $0x8, s3;
	v13 =	vnsel vm14, $0xFFFFFC18, v13;
	v9 =	vnsel vm3, $0xFFFFFC18, v9;
	vm1 =	vlt.s32 v11, $0x3E7  }
0x1ce: {  	p2 =	slt.u32 s22, s5;
	vm15 =	vlt.s32 v7, $0x3E7;
	vm2 =	vlt.s32 v8, $0x3E7;
	vm4 =	vlt.s32 v10, $0x3E7  }
.Ltmp28:
0x1cf: {  	vm5 =	vlt.s32 v12, $0x3E7;
	vm6 =	vlt.s32 v13, $0x3E7;
	v16 =	vnsel vm4, $0x3E7, v10;
	v10 =	vld.idx.msk [tilespmem:v6+s2+$0x0], $0xffff;
	(pc) =	sbr.rel @!p2 .LBB2_39-.Ltmp28, $4  }
0x1d0: {  	vm3 =	vlt.s32 v9, $0x3E7;
	v11 =	vnsel vm1, $0x3E7, v11;
	v7 =	vnsel vm15, $0x3E7, v7  }
0x1d1: {  	v14 =	vnsel vm2, $0x3E7, v8;
	v12 =	vnsel vm5, $0x3E7, v12;
	v13 =	vnsel vm6, $0x3E7, v13  }
0x1d2: {  	v15 =	vnsel vm3, $0x3E7, v9;
	v11 =	vadd.s32 $0x3E8, v11;
	v8 =	vadd.s32 $0x3E8, v7  }
0x1d3: {  	s30 =	rddreg [dreg:$0xe];
	s7 =	smov.u32 s23;
	v9 =	vadd.s32 $0x3E8, v14;
	v7 =	vadd.s32 $0x3E8, v15;
	v6 =	vadd.s32 $0x3E8, v16  }
.LBB2_38:
0x1d4: {  	v5 =	vadd.s32 $0xFFFFF807, v0;
	s22 =	sadd.s32 $0x8, s22;
	v12 =	vadd.s32 $0x3E8, v12;
	v13 =	vadd.s32 $0x3E8, v13;
	[tilespmem:s30+$0x0] =	vst v10;
	s7 =	sadd.s32 $0x80, s7  }
0x1d5: {  	s0 =	sadd.s32 $0xFFFFFFA0, s7;
	s21 =	sadd.s32 $0xFFFFFFB0, s7;
	v10 =	vadd.s32 s7, v5;
	p2 =	slt.u32 s22, s5  }
0x1d6: {  	s24 =	sadd.s32 $0xFFFFFFE0, s7;
	v14 =	vadd.s32 s0, v5;
	v15 =	vadd.s32 s21, v5;
	s0 =	sadd.s32 $0xFFFFFFC0, s7;
	s21 =	sadd.s32 $0xFFFFFFD0, s7;
	vm0 =	vgt.s32 v10, $0xFFFFFC18  }
0x1d7: {  	s31 =	sadd.s32 $0xFFFFFF90, s7;
	v16 =	vadd.s32 s0, v5;
	v17 =	vadd.s32 s21, v5;
	s0 =	sadd.s32 $0xFFFFFFF0, s7;
	v10 =	vnsel vm0, $0xFFFFFC18, v10;
	v11 =	vld.idx.msk [tilespmem:v11+s2+$0x0], $0xffff  }
0x1d8: {  	v18 =	vadd.s32 s31, v5;
	v19 =	vadd.s32 s24, v5;
	vm0 =	vlt.s32 v10, $0x3E7;
	v8 =	vld.idx.msk [tilespmem:v8+s2+$0x0], $0xffff  }
0x1d9: {  	vm1 =	vgt.s32 v18, $0xFFFFFC18;
	v20 =	vadd.s32 s0, v5;
	v10 =	vnsel vm0, $0x3E7, v10;
	v9 =	vld.idx.msk [tilespmem:v9+s2+$0x0], $0xffff  }
0x1da: {  	vm2 =	vgt.s32 v15, $0xFFFFFC18;
	vm0 =	vgt.s32 v14, $0xFFFFFC18;
	v10 =	vadd.s32 $0x3E8, v10;
	v7 =	vld.idx.msk [tilespmem:v7+s2+$0x0], $0xffff  }
0x1db: {  	vm5 =	vgt.s32 v19, $0xFFFFFC18;
	vm3 =	vgt.s32 v16, $0xFFFFFC18;
	vm4 =	vgt.s32 v17, $0xFFFFFC18;
	v6 =	vld.idx.msk [tilespmem:v6+s2+$0x0], $0xffff  }
0x1dc: {  	v18 =	vnsel vm1, $0xFFFFFC18, v18;
	v14 =	vnsel vm0, $0xFFFFFC18, v14;
	vm0 =	vgt.s32 v20, $0xFFFFFC18;
	v21 =	vld.idx.msk [tilespmem:v12+s2+$0x0], $0xffff  }
0x1dd: {  	v12 =	vnsel vm2, $0xFFFFFC18, v15;
	v15 =	vnsel vm3, $0xFFFFFC18, v16;
	v16 =	vnsel vm4, $0xFFFFFC18, v17;
	[tilespmem:s30+$0xFFFFFF90] =	vst v11;
	v17 =	vld.idx.msk [tilespmem:v13+s2+$0x0], $0xffff  }
0x1de: {  	vm1 =	vlt.s32 v18, $0x3E7;
	v11 =	vnsel vm5, $0xFFFFFC18, v19;
	v13 =	vnsel vm0, $0xFFFFFC18, v20;
	[tilespmem:s30+$0xFFFFFFA0] =	vst v8  }
0x1df: {  	vm0 =	vlt.s32 v14, $0x3E7;
	vm2 =	vlt.s32 v12, $0x3E7;
	vm3 =	vlt.s32 v15, $0x3E7;
	v10 =	vld.idx.msk [tilespmem:v10+s2+$0x0], $0xffff;
	[tilespmem:s30+$0xFFFFFFB0] =	vst v9  }
.Ltmp29:
0x1e0: {  	vm4 =	vlt.s32 v16, $0x3E7;
	vm5 =	vlt.s32 v11, $0x3E7;
	vm6 =	vlt.s32 v13, $0x3E7;
	[tilespmem:s30+$0xFFFFFFC0] =	vst v7;
	(pc) =	sbr.rel @p2 .LBB2_38-.Ltmp29, $4  }
0x1e1: {  	v8 =	vnsel vm0, $0x3E7, v14;
	v9 =	vnsel vm2, $0x3E7, v12;
	v7 =	vnsel vm1, $0x3E7, v18;
	[tilespmem:s30+$0xFFFFFFD0] =	vst v6  }
0x1e2: {  	v14 =	vnsel vm4, $0x3E7, v16;
	v12 =	vnsel vm5, $0x3E7, v11;
	v6 =	vnsel vm3, $0x3E7, v15;
	[tilespmem:s30+$0xFFFFFFE0] =	vst v21  }
0x1e3: {  	v8 =	vadd.s32 $0x3E8, v8;
	v13 =	vnsel vm6, $0x3E7, v13;
	v11 =	vadd.s32 $0x3E8, v7;
	[tilespmem:s30+$0xFFFFFFF0] =	vst v17  }
0x1e4: {  	v9 =	vadd.s32 $0x3E8, v9;
	v7 =	vadd.s32 $0x3E8, v6;
	v6 =	vadd.s32 $0x3E8, v14;
	s30 =	sadd.s32 $0x80, s30  }
.LBB2_39:
0x1e5: {  	_ =	sdelay $0x3  }
0x1e6: {  	v12 =	vadd.s32 $0x3E8, v12;
	v11 =	vld.idx.msk [tilespmem:v11+s2+$0x0], $0xffff  }
0x1e7: {  	v13 =	vadd.s32 $0x3E8, v13;
	v8 =	vld.idx.msk [tilespmem:v8+s2+$0x0], $0xffff  }
0x1e8: {  	v9 =	vld.idx.msk [tilespmem:v9+s2+$0x0], $0xffff  }
0x1e9: {  	v7 =	vld.idx.msk [tilespmem:v7+s2+$0x0], $0xffff  }
0x1ea: {  	[tilespmem:s30+$0x0] =	vst v10;
	v6 =	vld.idx.msk [tilespmem:v6+s2+$0x0], $0xffff  }
0x1eb: {  	v62 =	vld.idx.msk [tilespmem:v12+s2+$0x0], $0xffff;
	[tilespmem:s30+$0xFFFFFF90] =	vst v11  }
0x1ec: {  	v63 =	vld.idx.msk [tilespmem:v13+s2+$0x0], $0xffff;
	[tilespmem:s30+$0xFFFFFFA0] =	vst v8  }
0x1ed: {  	[tilespmem:s30+$0xFFFFFFB0] =	vst v9  }
.Ltmp30:
0x1ee: {  	[tilespmem:s30+$0xFFFFFFC0] =	vst v7;
	(pc) =	sbr.rel @p0 .LBB2_41-.Ltmp30, $4  }
0x1ef: {  	[tilespmem:s30+$0xFFFFFFD0] =	vst v6  }
0x1f0: {  	[tilespmem:s30+$0xFFFFFFE0] =	vst v62  }
0x1f1: {  	[tilespmem:s30+$0xFFFFFFF0] =	vst v63  }
0x1f2: {  	s7 =	smov.u32 s10;
	s30 =	smov.u32 s8;
	s22 =	rddreg [dreg:$0xb]  }
.LBB2_40:
0x1f3: {  	v6 =	vadd.s32 s7, v5  }
0x1f4: {  	vm0 =	vgt.s32 v6, $0xFFFFFC18  }
0x1f5: {  	v6 =	vnsel vm0, $0xFFFFFC18, v6  }
0x1f6: {  	vm0 =	vlt.s32 v6, $0x3E7  }
0x1f7: {  	v6 =	vnsel vm0, $0x3E7, v6  }
0x1f8: {  	v6 =	vadd.s32 $0x3E8, v6;
	_ =	sdelay $0x4  }
0x1f9: {  	p2 =	seq.s32 s30, $0x1;
	v6 =	vld.idx.msk [tilespmem:v6+s2+$0x0], $0xffff  }
.Ltmp31:
0x1fa: {  	_ = 	snop;
	(pc) =	sbr.rel @!p2 .LBB2_40-.Ltmp31, $2  }
0x1fb: {  	_ =	sdelay $0x2  }
0x1fc: {  	s7 =	sadd.s32 $0x10, s7;
	s30 =	sadd.s32 $0xFFFFFFFF, s30;
	[tilespmem:s22+$0x0] =	vst v6;
	s22 =	sadd.s32 $0x10, s22  }
.LBB2_41:
0x1fd: {  	v5 =	vadd.s32 $0xFFFFF808, v0  }
0x1fe: {  	s0 =	sadd.s32 $0xFFFFFFA0, s23;
	s7 =	sadd.s32 $0xFFFFFFB0, s23;
	s24 =	sadd.s32 $0xFFFFFFD0, s23;
	v6 =	vadd.s32 s23, v5  }
0x1ff: {  	s21 =	sadd.s32 $0xFFFFFFE0, s23;
	s22 =	sadd.s32 $0xFFFFFF90, s23;
	v7 =	vadd.s32 s0, v5;
	v8 =	vadd.s32 s7, v5;
	v10 =	vadd.s32 s24, v5  }
0x200: {  	s31 =	sadd.s32 $0xFFFFFFF0, s23;
	s7 =	sadd.s32 $0xFFFFFFC0, s23;
	v11 =	vadd.s32 s22, v5;
	v12 =	vadd.s32 s21, v5;
	vm0 =	vgt.s32 v6, $0xFFFFFC18  }
0x201: {  	v13 =	vadd.s32 s31, v5;
	v9 =	vadd.s32 s7, v5;
	v6 =	vnsel vm0, $0xFFFFFC18, v6  }
0x202: {  	vm1 =	vgt.s32 v11, $0xFFFFFC18;
	vm13 =	vgt.s32 v7, $0xFFFFFC18;
	vm0 =	vlt.s32 v6, $0x3E7  }
0x203: {  	vm2 =	vgt.s32 v8, $0xFFFFFC18;
	vm4 =	vgt.s32 v10, $0xFFFFFC18;
	v6 =	vnsel vm0, $0x3E7, v6  }
0x204: {  	vm5 =	vgt.s32 v12, $0xFFFFFC18;
	vm14 =	vgt.s32 v13, $0xFFFFFC18;
	v6 =	vadd.s32 $0x3E8, v6  }
0x205: {  	vm3 =	vgt.s32 v9, $0xFFFFFC18;
	v11 =	vnsel vm1, $0xFFFFFC18, v11;
	v7 =	vnsel vm13, $0xFFFFFC18, v7  }
0x206: {  	v8 =	vnsel vm2, $0xFFFFFC18, v8;
	v10 =	vnsel vm4, $0xFFFFFC18, v10;
	v12 =	vnsel vm5, $0xFFFFFC18, v12  }
0x207: {  	s22 =	sadd.s32 $0x8, s3;
	v13 =	vnsel vm14, $0xFFFFFC18, v13;
	v9 =	vnsel vm3, $0xFFFFFC18, v9;
	vm1 =	vlt.s32 v11, $0x3E7  }
0x208: {  	p2 =	slt.u32 s22, s5;
	vm15 =	vlt.s32 v7, $0x3E7;
	vm2 =	vlt.s32 v8, $0x3E7;
	vm4 =	vlt.s32 v10, $0x3E7  }
.Ltmp32:
0x209: {  	vm5 =	vlt.s32 v12, $0x3E7;
	vm6 =	vlt.s32 v13, $0x3E7;
	v16 =	vnsel vm4, $0x3E7, v10;
	v10 =	vld.idx.msk [tilespmem:v6+s2+$0x0], $0xffff;
	(pc) =	sbr.rel @!p2 .LBB2_43-.Ltmp32, $4  }
0x20a: {  	vm3 =	vlt.s32 v9, $0x3E7;
	v11 =	vnsel vm1, $0x3E7, v11;
	v7 =	vnsel vm15, $0x3E7, v7  }
0x20b: {  	v14 =	vnsel vm2, $0x3E7, v8;
	v12 =	vnsel vm5, $0x3E7, v12;
	v13 =	vnsel vm6, $0x3E7, v13  }
0x20c: {  	v15 =	vnsel vm3, $0x3E7, v9;
	v11 =	vadd.s32 $0x3E8, v11;
	v8 =	vadd.s32 $0x3E8, v7  }
0x20d: {  	s30 =	smov.u32 s1;
	s7 =	smov.u32 s23;
	v9 =	vadd.s32 $0x3E8, v14;
	v7 =	vadd.s32 $0x3E8, v15;
	v6 =	vadd.s32 $0x3E8, v16  }
.LBB2_42:
0x20e: {  	v5 =	vadd.s32 $0xFFFFF808, v0;
	s22 =	sadd.s32 $0x8, s22;
	v12 =	vadd.s32 $0x3E8, v12;
	v13 =	vadd.s32 $0x3E8, v13;
	[tilespmem:s30+$0x0] =	vst v10;
	s7 =	sadd.s32 $0x80, s7  }
0x20f: {  	s0 =	sadd.s32 $0xFFFFFFA0, s7;
	s21 =	sadd.s32 $0xFFFFFFB0, s7;
	v10 =	vadd.s32 s7, v5;
	p2 =	slt.u32 s22, s5  }
0x210: {  	s24 =	sadd.s32 $0xFFFFFFE0, s7;
	v14 =	vadd.s32 s0, v5;
	v15 =	vadd.s32 s21, v5;
	s0 =	sadd.s32 $0xFFFFFFC0, s7;
	s21 =	sadd.s32 $0xFFFFFFD0, s7;
	vm0 =	vgt.s32 v10, $0xFFFFFC18  }
0x211: {  	s31 =	sadd.s32 $0xFFFFFF90, s7;
	v16 =	vadd.s32 s0, v5;
	v17 =	vadd.s32 s21, v5;
	s0 =	sadd.s32 $0xFFFFFFF0, s7;
	v10 =	vnsel vm0, $0xFFFFFC18, v10;
	v11 =	vld.idx.msk [tilespmem:v11+s2+$0x0], $0xffff  }
0x212: {  	v18 =	vadd.s32 s31, v5;
	v19 =	vadd.s32 s24, v5;
	vm0 =	vlt.s32 v10, $0x3E7;
	v8 =	vld.idx.msk [tilespmem:v8+s2+$0x0], $0xffff  }
0x213: {  	vm1 =	vgt.s32 v18, $0xFFFFFC18;
	v20 =	vadd.s32 s0, v5;
	v10 =	vnsel vm0, $0x3E7, v10;
	v9 =	vld.idx.msk [tilespmem:v9+s2+$0x0], $0xffff  }
0x214: {  	vm2 =	vgt.s32 v15, $0xFFFFFC18;
	vm0 =	vgt.s32 v14, $0xFFFFFC18;
	v10 =	vadd.s32 $0x3E8, v10;
	v7 =	vld.idx.msk [tilespmem:v7+s2+$0x0], $0xffff  }
0x215: {  	vm5 =	vgt.s32 v19, $0xFFFFFC18;
	vm3 =	vgt.s32 v16, $0xFFFFFC18;
	vm4 =	vgt.s32 v17, $0xFFFFFC18;
	v6 =	vld.idx.msk [tilespmem:v6+s2+$0x0], $0xffff  }
0x216: {  	v18 =	vnsel vm1, $0xFFFFFC18, v18;
	v14 =	vnsel vm0, $0xFFFFFC18, v14;
	vm0 =	vgt.s32 v20, $0xFFFFFC18;
	v21 =	vld.idx.msk [tilespmem:v12+s2+$0x0], $0xffff  }
0x217: {  	v12 =	vnsel vm2, $0xFFFFFC18, v15;
	v15 =	vnsel vm3, $0xFFFFFC18, v16;
	v16 =	vnsel vm4, $0xFFFFFC18, v17;
	[tilespmem:s30+$0xFFFFFF90] =	vst v11;
	v17 =	vld.idx.msk [tilespmem:v13+s2+$0x0], $0xffff  }
0x218: {  	vm1 =	vlt.s32 v18, $0x3E7;
	v11 =	vnsel vm5, $0xFFFFFC18, v19;
	v13 =	vnsel vm0, $0xFFFFFC18, v20;
	[tilespmem:s30+$0xFFFFFFA0] =	vst v8  }
0x219: {  	vm0 =	vlt.s32 v14, $0x3E7;
	vm2 =	vlt.s32 v12, $0x3E7;
	vm3 =	vlt.s32 v15, $0x3E7;
	v10 =	vld.idx.msk [tilespmem:v10+s2+$0x0], $0xffff;
	[tilespmem:s30+$0xFFFFFFB0] =	vst v9  }
.Ltmp33:
0x21a: {  	vm4 =	vlt.s32 v16, $0x3E7;
	vm5 =	vlt.s32 v11, $0x3E7;
	vm6 =	vlt.s32 v13, $0x3E7;
	[tilespmem:s30+$0xFFFFFFC0] =	vst v7;
	(pc) =	sbr.rel @p2 .LBB2_42-.Ltmp33, $4  }
0x21b: {  	v8 =	vnsel vm0, $0x3E7, v14;
	v9 =	vnsel vm2, $0x3E7, v12;
	v7 =	vnsel vm1, $0x3E7, v18;
	[tilespmem:s30+$0xFFFFFFD0] =	vst v6  }
0x21c: {  	v14 =	vnsel vm4, $0x3E7, v16;
	v12 =	vnsel vm5, $0x3E7, v11;
	v6 =	vnsel vm3, $0x3E7, v15;
	[tilespmem:s30+$0xFFFFFFE0] =	vst v21  }
0x21d: {  	v8 =	vadd.s32 $0x3E8, v8;
	v13 =	vnsel vm6, $0x3E7, v13;
	v11 =	vadd.s32 $0x3E8, v7;
	[tilespmem:s30+$0xFFFFFFF0] =	vst v17  }
0x21e: {  	v9 =	vadd.s32 $0x3E8, v9;
	v7 =	vadd.s32 $0x3E8, v6;
	v6 =	vadd.s32 $0x3E8, v14;
	s30 =	sadd.s32 $0x80, s30  }
.LBB2_43:
0x21f: {  	_ =	sdelay $0x3  }
0x220: {  	v12 =	vadd.s32 $0x3E8, v12;
	v11 =	vld.idx.msk [tilespmem:v11+s2+$0x0], $0xffff  }
0x221: {  	v13 =	vadd.s32 $0x3E8, v13;
	v8 =	vld.idx.msk [tilespmem:v8+s2+$0x0], $0xffff  }
0x222: {  	v9 =	vld.idx.msk [tilespmem:v9+s2+$0x0], $0xffff  }
0x223: {  	v7 =	vld.idx.msk [tilespmem:v7+s2+$0x0], $0xffff  }
0x224: {  	[tilespmem:s30+$0x0] =	vst v10;
	v6 =	vld.idx.msk [tilespmem:v6+s2+$0x0], $0xffff  }
0x225: {  	v62 =	vld.idx.msk [tilespmem:v12+s2+$0x0], $0xffff;
	[tilespmem:s30+$0xFFFFFF90] =	vst v11  }
0x226: {  	v63 =	vld.idx.msk [tilespmem:v13+s2+$0x0], $0xffff;
	[tilespmem:s30+$0xFFFFFFA0] =	vst v8  }
.Ltmp34:
0x227: {  	[tilespmem:s30+$0xFFFFFFB0] =	vst v9;
	(pc) =	sbr.rel @!p1 .LBB2_45-.Ltmp34, $4  }
0x228: {  	[tilespmem:s30+$0xFFFFFFC0] =	vst v7  }
0x229: {  	[tilespmem:s30+$0xFFFFFFD0] =	vst v6  }
0x22a: {  	[tilespmem:s30+$0xFFFFFFE0] =	vst v62  }
0x22b: {  	s7 =	smov.u32 s10;
	s22 =	smov.u32 s4;
	[tilespmem:s30+$0xFFFFFFF0] =	vst v63;
	s30 =	smov.u32 s8  }
.LBB2_44:
0x22c: {  	v6 =	vadd.s32 s7, v5  }
0x22d: {  	vm0 =	vgt.s32 v6, $0xFFFFFC18  }
0x22e: {  	v6 =	vnsel vm0, $0xFFFFFC18, v6  }
0x22f: {  	vm0 =	vlt.s32 v6, $0x3E7  }
0x230: {  	v6 =	vnsel vm0, $0x3E7, v6  }
0x231: {  	v6 =	vadd.s32 $0x3E8, v6;
	_ =	sdelay $0x4  }
0x232: {  	p2 =	seq.s32 s30, $0x1;
	v6 =	vld.idx.msk [tilespmem:v6+s2+$0x0], $0xffff  }
.Ltmp35:
0x233: {  	_ = 	snop;
	(pc) =	sbr.rel @!p2 .LBB2_44-.Ltmp35, $2  }
0x234: {  	_ =	sdelay $0x2  }
0x235: {  	s7 =	sadd.s32 $0x10, s7;
	s30 =	sadd.s32 $0xFFFFFFFF, s30;
	[tilespmem:s22+$0x0] =	vst v6;
	s22 =	sadd.s32 $0x10, s22  }
.LBB2_45:
0x236: {  	s0 =	sadd.s32 $0x0, s18;
	s7 =	sadd.s32 $0x30C0, s6  }
0x237: {  	[hbm4b:s0+s2] =	stream.linear.scatter [tilespmem:s7], [sflag:$0x1], $0x800, $0x38;
	[tilespmem:$0x8A00] =	vst v63  }
0x238: {  	s21 =	sadd.s32 $0x0, s17;
	s22 =	sadd.s32 $0x2080, s6  }
0x239: {  	[hbm4b:s21+s2] =	stream.linear.scatter [tilespmem:s22], [sflag:$0x1], $0x800, $0x38;
	[tilespmem:$0x8A00] =	vst v63  }
0x23a: {  	s24 =	sadd.s32 $0x0, s16;
	s31 =	sadd.s32 $0x1040, s6  }
0x23b: {  	[hbm4b:s24+s2] =	stream.linear.scatter [tilespmem:s31], [sflag:$0x1], $0x800, $0x38;
	[tilespmem:$0x8A00] =	vst v63  }
0x23c: {  	s7 =	sadd.s32 $0x0, s15  }
0x23d: {  	[hbm4b:s7+s2] =	stream.linear.scatter [tilespmem:s6], [sflag:$0x1], $0x800, $0x38;
	[tilespmem:$0x8A00] =	vst v63  }
0x23e: {  	s21 =	sadd.s32 $0x0, s14;
	s22 =	sadd.s32 $0xFFFFEFC0, s6  }
0x23f: {  	[hbm4b:s21+s2] =	stream.linear.scatter [tilespmem:s22], [sflag:$0x1], $0x800, $0x38;
	[tilespmem:$0x8A00] =	vst v63  }
0x240: {  	s24 =	sadd.s32 $0x0, s13;
	s31 =	sadd.s32 $0xFFFFDF80, s6  }
0x241: {  	[hbm4b:s24+s2] =	stream.linear.scatter [tilespmem:s31], [sflag:$0x1], $0x800, $0x38;
	[tilespmem:$0x8A00] =	vst v63  }
0x242: {  	p2 =	por $0x1, $0x1;
	s21 =	sadd.s32 $0x0, s12;
	s22 =	sadd.s32 $0xFFFFCF40, s6  }
0x243: {  	[hbm4b:s21+s2] =	stream.linear.scatter [tilespmem:s22], [sflag:$0x1], $0x800, $0x38;
	[tilespmem:$0x8A00] =	vst v63  }
0x244: {  	s30 =	simm.s32 @!p2 $0x1;
	s24 =	sadd.s32 $0x0, s11;
	s31 =	sadd.s32 $0xFFFFBF00, s6  }
0x245: {  	[hbm4b:s24+s2] =	stream.linear.scatter [tilespmem:s31], [sflag:$0x1], $0x800, $0x38;
	[tilespmem:$0x8A00] =	vst v63  }
0x246: {  	_ =	swait.ge @!p2 [sflag:s30], $0x800  }
0x247: {  	[sflag:s30] =	ssyncset.done @!p2 $0x0  }
0x248: {  	[sflag:s30] =	ssyncadd.s32 @!p2 $0xFFFFF800  }
0x249: {  	_ =	swait.ge @!p2 [sflag:s30], $0x800  }
0x24a: {  	[sflag:s30] =	ssyncset.done @!p2 $0x0  }
0x24b: {  	[sflag:s30] =	ssyncadd.s32 @!p2 $0xFFFFF800  }
0x24c: {  	_ =	swait.ge @!p2 [sflag:s30], $0x800  }
0x24d: {  	[sflag:s30] =	ssyncset.done @!p2 $0x0  }
0x24e: {  	[sflag:s30] =	ssyncadd.s32 @!p2 $0xFFFFF800  }
0x24f: {  	_ =	swait.ge @!p2 [sflag:s30], $0x800  }
0x250: {  	[sflag:s30] =	ssyncset.done @!p2 $0x0  }
0x251: {  	[sflag:s30] =	ssyncadd.s32 @!p2 $0xFFFFF800  }
0x252: {  	_ =	swait.ge @!p2 [sflag:s30], $0x800  }
0x253: {  	[sflag:s30] =	ssyncset.done @!p2 $0x0  }
0x254: {  	[sflag:s30] =	ssyncadd.s32 @!p2 $0xFFFFF800  }
0x255: {  	_ =	swait.ge @!p2 [sflag:s30], $0x800  }
0x256: {  	[sflag:s30] =	ssyncset.done @!p2 $0x0  }
0x257: {  	[sflag:s30] =	ssyncadd.s32 @!p2 $0xFFFFF800  }
0x258: {  	_ =	swait.ge @!p2 [sflag:s30], $0x800  }
0x259: {  	[sflag:s30] =	ssyncset.done @!p2 $0x0  }
0x25a: {  	[sflag:s30] =	ssyncadd.s32 @!p2 $0xFFFFF800  }
0x25b: {  	s7 =	simm.s32 $0x800;
	s22 =	smov.u32 s6;
	_ =	swait.ge @!p2 [sflag:s30], $0x800  }
.LBB2_46:
0x25c: {  	[sflag:s30] =	ssyncset.done @!p2 $0x0  }
0x25d: {  	s22 =	sadd.s32 $0xFFFFFFF8, s22;
	s0 =	smov.u32 s7;
	s7 =	sadd.s32 $0x800, s7  }
0x25e: {  	s21 =	sadd.s32 s0, s18;
	s24 =	sadd.s32 $0x30C0, s22;
	[sflag:s30] =	ssyncadd.s32 @!p2 $0xFFFFF800  }
0x25f: {  	[hbm4b:s21+s2] =	stream.linear.scatter [tilespmem:s24], [sflag:$0x1], $0x800, $0x38;
	[tilespmem:$0x8A00] =	vst v63  }
0x260: {  	p3 =	sne.s32 s7, $0x40000;
	s21 =	sadd.s32 s0, s17;
	s24 =	sadd.s32 $0x2080, s22  }
0x261: {  	[hbm4b:s21+s2] =	stream.linear.scatter [tilespmem:s24], [sflag:$0x1], $0x800, $0x38;
	[tilespmem:$0x8A00] =	vst v63  }
0x262: {  	s21 =	sadd.s32 s0, s16;
	s24 =	sadd.s32 $0x1040, s22  }
0x263: {  	[hbm4b:s21+s2] =	stream.linear.scatter [tilespmem:s24], [sflag:$0x1], $0x800, $0x38;
	[tilespmem:$0x8A00] =	vst v63  }
0x264: {  	s21 =	sadd.s32 s0, s15  }
0x265: {  	[hbm4b:s21+s2] =	stream.linear.scatter [tilespmem:s22], [sflag:$0x1], $0x800, $0x38;
	[tilespmem:$0x8A00] =	vst v63  }
0x266: {  	s24 =	sadd.s32 $0xFFFFEFC0, s22;
	s21 =	sadd.s32 s0, s14  }
0x267: {  	[hbm4b:s21+s2] =	stream.linear.scatter [tilespmem:s24], [sflag:$0x1], $0x800, $0x38;
	[tilespmem:$0x8A00] =	vst v63  }
0x268: {  	s21 =	sadd.s32 s0, s13;
	s24 =	sadd.s32 $0xFFFFDF80, s22  }
0x269: {  	[hbm4b:s21+s2] =	stream.linear.scatter [tilespmem:s24], [sflag:$0x1], $0x800, $0x38;
	[tilespmem:$0x8A00] =	vst v63  }
0x26a: {  	s21 =	sadd.s32 s0, s12;
	s24 =	sadd.s32 $0xFFFFCF40, s22  }
0x26b: {  	[hbm4b:s21+s2] =	stream.linear.scatter [tilespmem:s24], [sflag:$0x1], $0x800, $0x38;
	[tilespmem:$0x8A00] =	vst v63  }
0x26c: {  	p2 =	seq.s32 s0, $0x0;
	s21 =	sadd.s32 s0, s11;
	s24 =	sadd.s32 $0xFFFFBF00, s22  }
0x26d: {  	[hbm4b:s21+s2] =	stream.linear.scatter [tilespmem:s24], [sflag:$0x1], $0x800, $0x38;
	[tilespmem:$0x8A00] =	vst v63  }
0x26e: {  	s30 =	simm.s32 @!p2 $0x1  }
0x26f: {  	_ =	swait.ge @!p2 [sflag:s30], $0x800  }
0x270: {  	[sflag:s30] =	ssyncset.done @!p2 $0x0  }
0x271: {  	[sflag:s30] =	ssyncadd.s32 @!p2 $0xFFFFF800  }
0x272: {  	_ =	swait.ge @!p2 [sflag:s30], $0x800  }
0x273: {  	[sflag:s30] =	ssyncset.done @!p2 $0x0  }
0x274: {  	[sflag:s30] =	ssyncadd.s32 @!p2 $0xFFFFF800  }
0x275: {  	_ =	swait.ge @!p2 [sflag:s30], $0x800  }
0x276: {  	[sflag:s30] =	ssyncset.done @!p2 $0x0  }
0x277: {  	[sflag:s30] =	ssyncadd.s32 @!p2 $0xFFFFF800  }
0x278: {  	_ =	swait.ge @!p2 [sflag:s30], $0x800  }
0x279: {  	[sflag:s30] =	ssyncset.done @!p2 $0x0  }
0x27a: {  	[sflag:s30] =	ssyncadd.s32 @!p2 $0xFFFFF800  }
0x27b: {  	_ =	swait.ge @!p2 [sflag:s30], $0x800  }
0x27c: {  	[sflag:s30] =	ssyncset.done @!p2 $0x0  }
0x27d: {  	[sflag:s30] =	ssyncadd.s32 @!p2 $0xFFFFF800  }
0x27e: {  	_ =	swait.ge @!p2 [sflag:s30], $0x800  }
0x27f: {  	[sflag:s30] =	ssyncset.done @!p2 $0x0  }
.Ltmp36:
0x280: {  	[sflag:s30] =	ssyncadd.s32 @!p2 $0xFFFFF800;
	(pc) =	sbr.rel @p3 .LBB2_46-.Ltmp36, $4  }
0x281: {  	_ =	swait.ge @!p2 [sflag:s30], $0x800  }
0x282: {  	[sflag:s30] =	ssyncset.done @!p2 $0x0  }
0x283: {  	[sflag:s30] =	ssyncadd.s32 @!p2 $0xFFFFF800  }
0x284: {  	_ =	swait.ge @!p2 [sflag:s30], $0x800  }
0x285: {  	[sflag:s30] =	ssyncset.done @!p2 $0x0  }
0x286: {  	[sflag:s30] =	ssyncadd.s32 @!p2 $0xFFFFF800  }
0x287: {  	_ =	swait.ge [sflag:s9], $0x800  }
0x288: {  	[sflag:s9] =	ssyncset.done $0x0  }
0x289: {  	[sflag:s9] =	ssyncadd.s32 $0xFFFFF800  }
0x28a: {  	_ =	swait.ge [sflag:s9], $0x800  }
0x28b: {  	[sflag:s9] =	ssyncset.done $0x0  }
0x28c: {  	[sflag:s9] =	ssyncadd.s32 $0xFFFFF800  }
0x28d: {  	_ =	swait.ge [sflag:s9], $0x800  }
0x28e: {  	[sflag:s9] =	ssyncset.done $0x0  }
0x28f: {  	[sflag:s9] =	ssyncadd.s32 $0xFFFFF800  }
0x290: {  	_ =	swait.ge [sflag:s9], $0x800  }
0x291: {  	[sflag:s9] =	ssyncset.done $0x0  }
0x292: {  	[sflag:s9] =	ssyncadd.s32 $0xFFFFF800  }
0x293: {  	_ =	swait.ge [sflag:s9], $0x800  }
0x294: {  	[sflag:s9] =	ssyncset.done $0x0  }
0x295: {  	[sflag:s9] =	ssyncadd.s32 $0xFFFFF800  }
0x296: {  	_ =	swait.ge [sflag:s9], $0x800  }
0x297: {  	[sflag:s9] =	ssyncset.done $0x0  }
0x298: {  	[sflag:s9] =	ssyncadd.s32 $0xFFFFF800  }
0x299: {  	_ =	swait.ge [sflag:s9], $0x800  }
0x29a: {  	[sflag:s9] =	ssyncset.done $0x0  }
0x29b: {  	[sflag:s9] =	ssyncadd.s32 $0xFFFFF800  }
0x29c: {  	_ =	swait.ge [sflag:s9], $0x800  }
0x29d: {  	s20 =	sadd.s32 $0x1, s20;
	s0 =	rddreg [dreg:$0x4]  }
0x29e: {  	p2 =	sne.s32 s20, s0  }
.Ltmp37:
0x29f: {  	_ = 	snop;
	(pc) =	sbr.rel @p2 .LBB2_1-.Ltmp37, $4  }
.Ltmp38:
0x2a0: {  	_ = 	snop;
	(pc) =	sbr.rel @!p2 .LBB2_48-.Ltmp38, $4  }
0x2a1: {  	_ = 	snop  }
0x2a2: {  	[sflag:s9] =	ssyncset.done $0x0  }
0x2a3: {  	[sflag:s9] =	ssyncadd.s32 $0xFFFFF800  }
0x2a4: {  	_ = 	snop  }
.LBB2_2:
.Ltmp39:
0x2a5: {  	(pc) =	sbr.rel .LBB2_6-.Ltmp39, $2  }
0x2a6: {  	_ =	sdelay $0x2  }
0x2a7: {  	s22 =	smov.u32 s25  }
.LBB2_9:
.Ltmp40:
0x2a8: {  	(pc) =	sbr.rel .LBB2_13-.Ltmp40, $2  }
0x2a9: {  	_ =	sdelay $0x2  }
0x2aa: {  	s22 =	smov.u32 s26  }
.LBB2_16:
.Ltmp41:
0x2ab: {  	(pc) =	sbr.rel .LBB2_20-.Ltmp41, $2  }
0x2ac: {  	_ =	sdelay $0x2  }
0x2ad: {  	s22 =	smov.u32 s28  }
.LBB2_23:
.Ltmp42:
0x2ae: {  	(pc) =	sbr.rel .LBB2_27-.Ltmp42, $2  }
0x2af: {  	_ =	sdelay $0x2  }
0x2b0: {  	s22 =	smov.u32 s29  }
.LBB2_4:
.Ltmp43:
0x2b1: {  	(pc) =	sbr.rel .LBB2_6-.Ltmp43, $2  }
0x2b2: {  	_ =	sdelay $0x2  }
0x2b3: {  	s22 =	smov.u32 s25  }
.LBB2_11:
.Ltmp44:
0x2b4: {  	(pc) =	sbr.rel .LBB2_13-.Ltmp44, $2  }
0x2b5: {  	_ =	sdelay $0x2  }
0x2b6: {  	s22 =	smov.u32 s26  }
.LBB2_18:
.Ltmp45:
0x2b7: {  	(pc) =	sbr.rel .LBB2_20-.Ltmp45, $2  }
0x2b8: {  	_ =	sdelay $0x2  }
0x2b9: {  	s22 =	smov.u32 s28  }
.LBB2_25:
.Ltmp46:
0x2ba: {  	(pc) =	sbr.rel .LBB2_27-.Ltmp46, $2  }
0x2bb: {  	_ =	sdelay $0x2  }
0x2bc: {  	s22 =	smov.u32 s29  }
.LBB2_48:
0x2bd: {  	_ =	sfence.sel $0x180000  }
0x2be: {  	[bflag:$0x0] =	sbarrier.arrive $0xFFFF  }
0x2bf: {  	_ =	strace $0x90000047  }
0x2c0: {  	s0 =	stileid.u32;
	[bflag:$0x2] =	sbarrier.arrive $0xFFFF  }
0x2c1: {  	p0 =	sne.s32 s0, $0x0;
	s0 =	rddreg [dreg:$0x2]  }
0x2c2: {  	s0 =	sadd.s32 @!p0 $0x100000, s0  }
0x2c3: {  	[sflag:s0] =	ssyncadd.tile.s32 @!p0 $0x1;
	_ =	shalt  }
.Lfunc_end2:
_tile_overlayer_lowered:
.L_overlay_start_2:
0x2c4: {  	(tag) =	ssettag $0x2  }
0x2c5: {  	s0 =	rddreg [dreg:$0x0];
	s2 =	stileid.u32  }
0x2c6: {  	s1 =	rddreg [dreg:$0x1];
	p0 =	sne.s32 s2, $0x0  }
0x2c7: {  	s3 =	rddreg [dreg:$0x2];
	[bflag:$0x3] =	sbarrier.arrive $0xFFFF;
	s2 =	simm.s32 @!p0 $0x1C02  }
0x2c8: {  	[timem:s3], [sflag:s2] =	dma.local @!p0 [hbm:s0], s1  }
0x2c9: {  	s0 =	simm.s32 @!p0 $0x2  }
0x2ca: {  	_ =	swait.ge @!p0 [sflag:s0], s1  }
0x2cb: {  	s1 =	ssub.s32 @!p0 $0x0, s1;
	[sflag:s0] =	ssyncset.done @!p0 $0x0  }
0x2cc: {  	[sflag:s0] =	ssyncadd.s32 @!p0 s1  }
0x2cd: {  	[bflag:$0x3] =	sbarrier.arrive $0xFFFF  }
0x2ce: {  	_ =	shalt  }

</sc_bundles>
